<compile_context>
chip_gen: v7x
topology: tpu7x:2x2x1
jax: 0.10.2.dev20260603
libtpu: 0.0.44.dev20260713+nightly
codegen_flags: <defaults>
</compile_context>

<pallas_src>
import functools

import jax
import jax.numpy as jnp
from jax import lax
from jax.experimental import pallas as pl
from jax.experimental.pallas import tpu as pltpu
from jax.experimental.pallas import tpu_sc as plsc

D_MODEL = 256
SEQ = 64
BATCH = 4096
LANES = 16
NCHUNK = D_MODEL // LANES


NW = 32
BPW = BATCH // NW
PAIR = 2
NPAIR = BPW // PAIR
NBUF = 3


def _sc_body(x_hbm, abs_hbm, file_hbm, rank_hbm, diag_hbm, anti_hbm, out_hbm,
             idx_v, pos_v, xb0, xb1, xb2,
             in0, in1, in2, out0, out1, out2, gsem):
    cid = lax.axis_index("c")
    sid = lax.axis_index("s")
    wid = sid * 2 + cid
    base = wid * BPW
    xbs = [xb0, xb1, xb2]
    insems = [in0, in1, in2]
    outsems = [out0, out1, out2]

    pltpu.sync_copy(abs_hbm.at[0], pos_v)

    def add_tmp_into_pos():
        def srow(s, carry):
            for ch in range(NCHUNK):
                sl = pl.ds(ch * LANES, LANES)
                pos_v[s, sl] = pos_v[s, sl] + xb0[0, s, sl]
            return carry
        lax.fori_loop(0, SEQ, srow, 0)

    _k3 = jnp.full((LANES,), 3, dtype=jnp.int32)
    _k7 = jnp.full((LANES,), 7, dtype=jnp.int32)
    for table, fn in (
        (file_hbm, lambda p: p & _k7),
        (rank_hbm, lambda p: p >> _k3),
        (diag_hbm, lambda p: (p >> _k3) + (p & _k7)),
        (anti_hbm, lambda p: (p >> _k3) - (p & _k7) + _k7),
    ):
        for ch in range(SEQ // LANES):
            c16 = jnp.full((LANES,), ch * LANES, dtype=jnp.int32)
            p = lax.iota(jnp.int32, LANES) + c16
            idx_v[pl.ds(ch * LANES, LANES)] = fn(p)
        pltpu.async_copy(table.at[idx_v], xb0.at[0], gsem).wait()
        add_tmp_into_pos()

    def turn(e, b):
        buf = xbs[b]
        pltpu.make_async_copy(
            x_hbm.at[pl.ds(base + e * PAIR, PAIR)], buf, insems[b]).wait()

        def srow(s, c2):
            prow = [pos_v[s, pl.ds(ch * LANES, LANES)] for ch in range(NCHUNK)]
            for el in range(PAIR):
                for ch in range(NCHUNK):
                    sl = pl.ds(ch * LANES, LANES)
                    buf[el, s, sl] = buf[el, s, sl] + prow[ch]
            return c2
        lax.fori_loop(0, SEQ, srow, 0)
        pltpu.async_copy(
            buf, out_hbm.at[pl.ds(base + e * PAIR, PAIR)], outsems[b])

        bp = (b - 1) % NBUF
        ep = e - 1
        @pl.when((ep >= 0) & (ep + NBUF < NPAIR))
        def _():
            pltpu.make_async_copy(
                xbs[bp], out_hbm.at[pl.ds(base + ep * PAIR, PAIR)],
                outsems[bp]).wait()
            pltpu.async_copy(
                x_hbm.at[pl.ds(base + (ep + NBUF) * PAIR, PAIR)],
                xbs[bp], insems[bp])

    for b in range(NBUF):
        pltpu.async_copy(
            x_hbm.at[pl.ds(base + b * PAIR, PAIR)], xbs[b], insems[b])

    NFULL = NPAIR // NBUF
    NTAIL = NPAIR - NFULL * NBUF

    def ring_step(i, carry):
        for b in range(NBUF):
            turn(i * NBUF + b, b)
        return carry
    lax.fori_loop(0, NFULL, ring_step, 0)
    for t in range(NTAIL):
        turn(NFULL * NBUF + t, t)

    for k in range(NBUF):
        e = NPAIR - NBUF + k
        b = e % NBUF
        pltpu.make_async_copy(
            xbs[b], out_hbm.at[pl.ds(base + e * PAIR, PAIR)],
            outsems[b]).wait()


_sc_kernel = functools.partial(
    pl.kernel,
    out_type=jax.ShapeDtypeStruct((BATCH, SEQ, D_MODEL), jnp.float32),
    mesh=plsc.VectorSubcoreMesh(core_axis_name="c", subcore_axis_name="s"),
    scratch_types=[
        pltpu.VMEM((SEQ,), jnp.int32),
        pltpu.VMEM((SEQ, D_MODEL), jnp.float32),
    ] + [pltpu.VMEM((PAIR, SEQ, D_MODEL), jnp.float32)] * 3
      + [pltpu.SemaphoreType.DMA] * 7,
)(_sc_body)




def _sc_pos_body(abs_hbm, file_hbm, rank_hbm, diag_hbm, anti_hbm, pos_hbm,
                 idx_v, pos_v, tmp_v, gsem):
    cid = lax.axis_index("c")
    sid = lax.axis_index("s")
    wid = sid * 2 + cid

    @pl.when(wid == 0)
    def _():
        pltpu.sync_copy(abs_hbm.at[0], pos_v)

        def add_tmp_into_pos():
            def srow(s, carry):
                for ch in range(NCHUNK):
                    sl = pl.ds(ch * LANES, LANES)
                    pos_v[s, sl] = pos_v[s, sl] + tmp_v[s, sl]
                return carry
            lax.fori_loop(0, SEQ, srow, 0)

        _k3 = jnp.full((LANES,), 3, dtype=jnp.int32)
        _k7 = jnp.full((LANES,), 7, dtype=jnp.int32)
        for table, fn in (
            (file_hbm, lambda p: p & _k7),
            (rank_hbm, lambda p: p >> _k3),
            (diag_hbm, lambda p: (p >> _k3) + (p & _k7)),
            (anti_hbm, lambda p: (p >> _k3) - (p & _k7) + _k7),
        ):
            for ch in range(SEQ // LANES):
                c16 = jnp.full((LANES,), ch * LANES, dtype=jnp.int32)
                p = lax.iota(jnp.int32, LANES) + c16
                idx_v[pl.ds(ch * LANES, LANES)] = fn(p)
            pltpu.async_copy(table.at[idx_v], tmp_v, gsem).wait()
            add_tmp_into_pos()
        pltpu.sync_copy(pos_v, pos_hbm)


_sc_pos_kernel = functools.partial(
    pl.kernel,
    out_type=jax.ShapeDtypeStruct((SEQ, D_MODEL), jnp.float32),
    mesh=plsc.VectorSubcoreMesh(core_axis_name="c", subcore_axis_name="s"),
    scratch_types=[
        pltpu.VMEM((SEQ,), jnp.int32),
        pltpu.VMEM((SEQ, D_MODEL), jnp.float32),
        pltpu.VMEM((SEQ, D_MODEL), jnp.float32),
        pltpu.SemaphoreType.DMA,
    ],
)(_sc_pos_body)


def _tc_add_body(x_ref, pos_ref, o_ref):
    o_ref[...] = x_ref[...] + pos_ref[...][None, :, :]


def _hybrid_kernel(x, absolute_pos_embedding, file_table, rank_table,
                   diag_table, anti_diag_table):
    pos = _sc_pos_kernel(absolute_pos_embedding, file_table, rank_table,
                         diag_table, anti_diag_table)
    batch, seq, d = x.shape
    return pl.pallas_call(
        _tc_add_body,
        grid=(batch // BATCH_BLOCK,),
        in_specs=[
            pl.BlockSpec((BATCH_BLOCK, seq, d), lambda i: (i, 0, 0)),
            pl.BlockSpec((seq, d), lambda i: (0, 0)),
        ],
        out_specs=pl.BlockSpec((BATCH_BLOCK, seq, d), lambda i: (i, 0, 0)),
        out_shape=jax.ShapeDtypeStruct(x.shape, x.dtype),
    )(x, pos)



BATCH_BLOCK = 128


def _tc_body(x_ref, abs_ref, file_ref, rank_ref, diag_ref, anti_ref, o_ref):
    file_emb = jnp.tile(file_ref[...], (8, 1))
    rank_emb = jnp.repeat(rank_ref[...], 8, axis=0)
    row = jax.lax.broadcasted_iota(jnp.int32, (SEQ, 15), 0)
    col = jax.lax.broadcasted_iota(jnp.int32, (SEQ, 15), 1)
    diag_oh = (col == row // 8 + row % 8).astype(jnp.float32)
    anti_oh = (col == row // 8 - row % 8 + 7).astype(jnp.float32)
    diag_emb = jnp.dot(diag_oh, diag_ref[...], preferred_element_type=jnp.float32,
                       precision=jax.lax.Precision.HIGHEST)
    anti_emb = jnp.dot(anti_oh, anti_ref[...], preferred_element_type=jnp.float32,
                       precision=jax.lax.Precision.HIGHEST)
    pos = abs_ref[0] + file_emb + rank_emb + diag_emb + anti_emb
    o_ref[...] = x_ref[...] + pos[None, :, :]


def _tc_kernel(x, absolute_pos_embedding, file_table, rank_table, diag_table, anti_diag_table):
    batch, seq, d = x.shape
    return pl.pallas_call(
        _tc_body,
        grid=(batch // BATCH_BLOCK,),
        in_specs=[
            pl.BlockSpec((BATCH_BLOCK, seq, d), lambda i: (i, 0, 0)),
            pl.BlockSpec((1, seq, d), lambda i: (0, 0, 0)),
            pl.BlockSpec((8, d), lambda i: (0, 0)),
            pl.BlockSpec((8, d), lambda i: (0, 0)),
            pl.BlockSpec((15, d), lambda i: (0, 0)),
            pl.BlockSpec((15, d), lambda i: (0, 0)),
        ],
        out_specs=pl.BlockSpec((BATCH_BLOCK, seq, d), lambda i: (i, 0, 0)),
        out_shape=jax.ShapeDtypeStruct(x.shape, x.dtype),
    )(x, absolute_pos_embedding, file_table, rank_table, diag_table, anti_diag_table)


@jax.jit
def kernel(x, absolute_pos_embedding, file_table, rank_table, diag_table, anti_diag_table):
    return _hybrid_kernel(x, absolute_pos_embedding, file_table, rank_table,
                          diag_table, anti_diag_table)

# --- scband reference (transcript-rebuilt; emitter-appended) ---
"""Pipeline reference for scband-chess-positional-encoding-14568529068546 (READ-ONLY COPY).

The authoritative reference and input builder live on the scoring server;
editing this copy changes nothing except your own understanding.
"""

import jax, jax.numpy as jnp
import numpy as np

D_MODEL = 256
MAX_SEQ_LEN = 64
BATCH = 4096

def setup_inputs(seed: int = 0) -> dict:
    key = jax.random.key(seed)
    k_x, k_abs, k_file, k_rank, k_diag, k_anti = jax.random.split(key, 6)
    x = jax.random.normal(k_x, (BATCH, 64, D_MODEL), dtype=jnp.float32)
    absolute_pos_embedding = jax.random.normal(k_abs, (1, MAX_SEQ_LEN, D_MODEL), dtype=jnp.float32)
    file_table = jax.random.normal(k_file, (8, D_MODEL), dtype=jnp.float32)
    rank_table = jax.random.normal(k_rank, (8, D_MODEL), dtype=jnp.float32)
    diag_table = jax.random.normal(k_diag, (15, D_MODEL), dtype=jnp.float32)
    anti_diag_table = jax.random.normal(k_anti, (15, D_MODEL), dtype=jnp.float32)
    return {
        "x": x,
        "absolute_pos_embedding": absolute_pos_embedding,
        "file_table": file_table,
        "rank_table": rank_table,
        "diag_table": diag_table,
        "anti_diag_table": anti_diag_table,
    }

def reference(x, absolute_pos_embedding, file_table, rank_table, diag_table, anti_diag_table):
    batch, seq_len, d = x.shape
    positions = jnp.arange(seq_len)
    files = positions % 8
    ranks = positions // 8
    diagonals = ranks + files
    anti_diagonals = ranks - files + 7
    file_emb = jnp.take(file_table, files, axis=0)
    rank_emb = jnp.take(rank_table, ranks, axis=0)
    diag_emb = jnp.take(diag_table, diagonals, axis=0)
    anti_diag_emb = jnp.take(anti_diag_table, anti_diagonals, axis=0)
    total_pos_embedding = (
        absolute_pos_embedding[:, :seq_len, :]
        + file_emb[None, :, :]
        + rank_emb[None, :, :]
        + diag_emb[None, :, :]
        + anti_diag_emb[None, :, :]
    )
    return x + total_pos_embedding

if __name__ == "__main__":
    import jax
    _d = setup_inputs()
    print(jax.jit(kernel)(*tuple(_d.values())))

</pallas_src>

<mosaic_0001>
#map = affine_map<(d0, d1) -> (0, 0, 0)>
#map1 = affine_map<(d0, d1) -> (0, 0)>
module attributes {stable_mosaic.version = 14 : i64} {
  func.func @_sc_pos_body(%arg0: i32, %arg1: i32, %arg2: memref<1x64x256xf32, #tpu.memory_space<hbm>>, %arg3: memref<8x256xf32, #tpu.memory_space<hbm>>, %arg4: memref<8x256xf32, #tpu.memory_space<hbm>>, %arg5: memref<15x256xf32, #tpu.memory_space<hbm>>, %arg6: memref<15x256xf32, #tpu.memory_space<hbm>>, %arg7: memref<64x256xf32, #tpu.memory_space<hbm>>, %arg8: memref<64xi32, #tpu.memory_space<vmem>>, %arg9: memref<64x256xf32, #tpu.memory_space<vmem>>, %arg10: memref<64x256xf32, #tpu.memory_space<vmem>>, %arg11: memref<!tpu.dma_semaphore, #tpu.memory_space<semaphore_mem>>) attributes {dimension_semantics = [#tpu.dimension_semantics<core_parallel>, #tpu.dimension_semantics<subcore_parallel>], iteration_bounds = array<i64: 2, 16>, scalar_prefetch = 0 : i64, scratch_operands = 4 : i64, tpu.core_type = #tpu.core_type<sc_vector_subcore>, window_params = [{transform_indices = #map}, {transform_indices = #map1}, {transform_indices = #map1}, {transform_indices = #map1}, {transform_indices = #map1}, {transform_indices = #map1}]} {
    %mul3A = arith.constant 2 : i32
    %mul3A_0 = arith.muli %arg1, %mul3A : i32
    %add3A = arith.addi %mul3A_0, %arg0 : i32
    %eq3A = arith.constant 0 : i32
    %eq3A_1 = arith.cmpi eq, %add3A, %eq3A : i32
    %convert_element_type3A = arith.extui %eq3A_1 : i1 to i32
    %cond3A = arith.constant 0 : i32
    %cond3A_2 = arith.cmpi ne, %convert_element_type3A, %cond3A : i32
    scf.if %cond3A_2 {
      %run_scoped3A = arith.constant 0 : i32
      "tpu.region"() ({
        %run_scoped3A_210 = tpu.sem_alloc : memref<!tpu.dma_semaphore, #tpu.memory_space<semaphore_mem>>
        %dma_start3A_211 = arith.constant 0 : i32
        %dma_start3A_212 = arith.constant 0 : i32
        %dma_start3A_213 = tpu.memref_slice %arg2[%run_scoped3A, %dma_start3A_211, %dma_start3A_212] : memref<1x64x256xf32, #tpu.memory_space<hbm>> -> memref<1x64x256xf32, #tpu.memory_space<hbm>>
        %dma_start3A_214 = tpu.memref_squeeze %dma_start3A_213 : memref<1x64x256xf32, #tpu.memory_space<hbm>> -> memref<64x256xf32, #tpu.memory_space<hbm>>
        %dma_start3A_215 = arith.constant 0 : i32
        %dma_start3A_216 = arith.constant 0 : i32
        %dma_start3A_217 = tpu.memref_slice %arg2[%run_scoped3A, %dma_start3A_215, %dma_start3A_216] : memref<1x64x256xf32, #tpu.memory_space<hbm>> -> memref<1x64x256xf32, #tpu.memory_space<hbm>>
        %dma_start3A_218 = tpu.memref_squeeze %dma_start3A_217 : memref<1x64x256xf32, #tpu.memory_space<hbm>> -> memref<64x256xf32, #tpu.memory_space<hbm>>
        tpu.enqueue_dma source(%dma_start3A_218 : memref<64x256xf32, #tpu.memory_space<hbm>>) target(%arg9 : memref<64x256xf32, #tpu.memory_space<vmem>>) target_semaphore(%run_scoped3A_210 : memref<!tpu.dma_semaphore, #tpu.memory_space<semaphore_mem>>)
        %dma_wait3A_219 = arith.constant 0 : i32
        %dma_wait3A_220 = arith.constant 0 : i32
        %dma_wait3A_221 = tpu.memref_slice %arg2[%run_scoped3A, %dma_wait3A_219, %dma_wait3A_220] : memref<1x64x256xf32, #tpu.memory_space<hbm>> -> memref<1x64x256xf32, #tpu.memory_space<hbm>>
        %dma_wait3A_222 = tpu.memref_squeeze %dma_wait3A_221 : memref<1x64x256xf32, #tpu.memory_space<hbm>> -> memref<64x256xf32, #tpu.memory_space<hbm>>
        %dma_wait3A_223 = arith.constant 0 : i32
        %dma_wait3A_224 = arith.constant 0 : i32
        %dma_wait3A_225 = tpu.memref_slice %arg2[%run_scoped3A, %dma_wait3A_223, %dma_wait3A_224] : memref<1x64x256xf32, #tpu.memory_space<hbm>> -> memref<1x64x256xf32, #tpu.memory_space<hbm>>
        %dma_wait3A_226 = tpu.memref_squeeze %dma_wait3A_225 : memref<1x64x256xf32, #tpu.memory_space<hbm>> -> memref<64x256xf32, #tpu.memory_space<hbm>>
        tpu.wait_dma2 semaphore(%run_scoped3A_210 : memref<!tpu.dma_semaphore, #tpu.memory_space<semaphore_mem>>) src(%dma_wait3A_226 : memref<64x256xf32, #tpu.memory_space<hbm>>) dst(%arg9 : memref<64x256xf32, #tpu.memory_space<vmem>>)
        tpu.yield
      }) : () -> ()
      %broadcast_in_dim3A = arith.constant 3 : i32
      %broadcast_in_dim3A_3 = vector.broadcast %broadcast_in_dim3A : i32 to vector<16xi32>
      %broadcast_in_dim3A_4 = arith.constant 7 : i32
      %broadcast_in_dim3A_5 = vector.broadcast %broadcast_in_dim3A_4 : i32 to vector<16xi32>
      %broadcast_in_dim3A_6 = arith.constant 0 : i32
      %broadcast_in_dim3A_7 = vector.broadcast %broadcast_in_dim3A_6 : i32 to vector<16xi32>
      %iota3A = tpu.iota {dimensions = array<i32: 0>} : vector<16xi32>
      %add3A_8 = arith.addi %iota3A, %broadcast_in_dim3A_7 : vector<16xi32>
      %and3A = arith.andi %add3A_8, %broadcast_in_dim3A_5 : vector<16xi32>
      %swap3A = arith.constant 0 : index
      %swap3A_9 = tpu.vector_load %arg8[%swap3A] {strides = array<i32>} : memref<64xi32, #tpu.memory_space<vmem>>, vector<16xi32>,
      %swap3A_10 = vector.shape_cast %swap3A_9 : vector<16xi32> to vector<16xi32>
      %swap3A_11 = vector.shape_cast %and3A : vector<16xi32> to vector<16xi32>
      tpu.vector_store %arg8[%swap3A], %swap3A_11 {strides = array<i32>} : memref<64xi32, #tpu.memory_space<vmem>>, vector<16xi32>,
      %broadcast_in_dim3A_12 = arith.constant 16 : i32
      %broadcast_in_dim3A_13 = vector.broadcast %broadcast_in_dim3A_12 : i32 to vector<16xi32>
      %iota3A_14 = tpu.iota {dimensions = array<i32: 0>} : vector<16xi32>
      %add3A_15 = arith.addi %iota3A_14, %broadcast_in_dim3A_13 : vector<16xi32>
      %and3A_16 = arith.andi %add3A_15, %broadcast_in_dim3A_5 : vector<16xi32>
      %swap3A_17 = arith.constant 16 : index
      %swap3A_18 = tpu.vector_load %arg8[%swap3A_17] {strides = array<i32>} : memref<64xi32, #tpu.memory_space<vmem>>, vector<16xi32>,
      %swap3A_19 = vector.shape_cast %swap3A_18 : vector<16xi32> to vector<16xi32>
      %swap3A_20 = vector.shape_cast %and3A_16 : vector<16xi32> to vector<16xi32>
      tpu.vector_store %arg8[%swap3A_17], %swap3A_20 {strides = array<i32>} : memref<64xi32, #tpu.memory_space<vmem>>, vector<16xi32>,
      %broadcast_in_dim3A_21 = arith.constant 32 : i32
      %broadcast_in_dim3A_22 = vector.broadcast %broadcast_in_dim3A_21 : i32 to vector<16xi32>
      %iota3A_23 = tpu.iota {dimensions = array<i32: 0>} : vector<16xi32>
      %add3A_24 = arith.addi %iota3A_23, %broadcast_in_dim3A_22 : vector<16xi32>
      %and3A_25 = arith.andi %add3A_24, %broadcast_in_dim3A_5 : vector<16xi32>
      %swap3A_26 = arith.constant 32 : index
      %swap3A_27 = tpu.vector_load %arg8[%swap3A_26] {strides = array<i32>} : memref<64xi32, #tpu.memory_space<vmem>>, vector<16xi32>,
      %swap3A_28 = vector.shape_cast %swap3A_27 : vector<16xi32> to vector<16xi32>
      %swap3A_29 = vector.shape_cast %and3A_25 : vector<16xi32> to vector<16xi32>
      tpu.vector_store %arg8[%swap3A_26], %swap3A_29 {strides = array<i32>} : memref<64xi32, #tpu.memory_space<vmem>>, vector<16xi32>,
      %broadcast_in_dim3A_30 = arith.constant 48 : i32
      %broadcast_in_dim3A_31 = vector.broadcast %broadcast_in_dim3A_30 : i32 to vector<16xi32>
      %iota3A_32 = tpu.iota {dimensions = array<i32: 0>} : vector<16xi32>
      %add3A_33 = arith.addi %iota3A_32, %broadcast_in_dim3A_31 : vector<16xi32>
      %and3A_34 = arith.andi %add3A_33, %broadcast_in_dim3A_5 : vector<16xi32>
      %swap3A_35 = arith.constant 48 : index
      %swap3A_36 = tpu.vector_load %arg8[%swap3A_35] {strides = array<i32>} : memref<64xi32, #tpu.memory_space<vmem>>, vector<16xi32>,
      %swap3A_37 = vector.shape_cast %swap3A_36 : vector<16xi32> to vector<16xi32>
      %swap3A_38 = vector.shape_cast %and3A_34 : vector<16xi32> to vector<16xi32>
      tpu.vector_store %arg8[%swap3A_35], %swap3A_38 {strides = array<i32>} : memref<64xi32, #tpu.memory_space<vmem>>, vector<16xi32>,
      %dma_start3A = arith.constant 0 : i32
      %dma_start3A_39 = arith.constant 0 : i32
      %dma_start3A_40 = tpu.memref_slice %arg3[%dma_start3A, %dma_start3A_39] : memref<8x256xf32, #tpu.memory_space<hbm>> -> memref<8x256xf32, #tpu.memory_space<hbm>>
      tpu.enqueue_indirect_dma source(%dma_start3A_40 : memref<8x256xf32, #tpu.memory_space<hbm>>) target(%arg10 : memref<64x256xf32, #tpu.memory_space<vmem>>) offsets(%arg8 : memref<64xi32, #tpu.memory_space<vmem>>) semaphore(%arg11 : memref<!tpu.dma_semaphore, #tpu.memory_space<semaphore_mem>>)
      %dma_wait3A = arith.constant 0 : i32
      %dma_wait3A_41 = arith.constant 0 : i32
      %dma_wait3A_42 = tpu.memref_slice %arg3[%dma_wait3A, %dma_wait3A_41] : memref<8x256xf32, #tpu.memory_space<hbm>> -> memref<8x256xf32, #tpu.memory_space<hbm>>
      tpu.wait_indirect_dma semaphore(%arg11 : memref<!tpu.dma_semaphore, #tpu.memory_space<semaphore_mem>>) src(%dma_wait3A_42 : memref<8x256xf32, #tpu.memory_space<hbm>>) dst(%arg10 : memref<64x256xf32, #tpu.memory_space<vmem>>)
      %scan3A = arith.constant 0 : i32
      %scan3A_43 = arith.constant 0 : i32
      %scan3A_44 = arith.constant 64 : i32
      %scan3A_45 = arith.addi %scan3A_43, %scan3A_44 : i32
      %scan3A_46 = arith.constant 1 : i32
      scf.for %scan3A_210 = %scan3A_43 to %scan3A_45 step %scan3A_46  : i32 {
        %get3A = arith.index_cast %scan3A_210 : i32 to index
        %get3A_211 = arith.constant 0 : index
        %get3A_212 = tpu.vector_load %arg9[%get3A, %get3A_211] {strides = array<i32>} : memref<64x256xf32, #tpu.memory_space<vmem>>, vector<1x16xf32>,
        %get3A_213 = vector.shape_cast %get3A_212 : vector<1x16xf32> to vector<16xf32>
        %get3A_214 = arith.index_cast %scan3A_210 : i32 to index
        %get3A_215 = arith.constant 0 : index
        %get3A_216 = tpu.vector_load %arg10[%get3A_214, %get3A_215] {strides = array<i32>} : memref<64x256xf32, #tpu.memory_space<vmem>>, vector<1x16xf32>,
        %get3A_217 = vector.shape_cast %get3A_216 : vector<1x16xf32> to vector<16xf32>
        %add3A_218 = arith.addf %get3A_213, %get3A_217 : vector<16xf32>
        %swap3A_219 = arith.index_cast %scan3A_210 : i32 to index
        %swap3A_220 = arith.constant 0 : index
        %swap3A_221 = tpu.vector_load %arg9[%swap3A_219, %swap3A_220] {strides = array<i32>} : memref<64x256xf32, #tpu.memory_space<vmem>>, vector<1x16xf32>,
        %swap3A_222 = vector.shape_cast %swap3A_221 : vector<1x16xf32> to vector<16xf32>
        %swap3A_223 = vector.shape_cast %add3A_218 : vector<16xf32> to vector<1x16xf32>
        tpu.vector_store %arg9[%swap3A_219, %swap3A_220], %swap3A_223 {strides = array<i32>} : memref<64x256xf32, #tpu.memory_space<vmem>>, vector<1x16xf32>,
        %get3A_224 = arith.index_cast %scan3A_210 : i32 to index
        %get3A_225 = arith.constant 16 : index
        %get3A_226 = tpu.vector_load %arg9[%get3A_224, %get3A_225] {strides = array<i32>} : memref<64x256xf32, #tpu.memory_space<vmem>>, vector<1x16xf32>,
        %get3A_227 = vector.shape_cast %get3A_226 : vector<1x16xf32> to vector<16xf32>
        %get3A_228 = arith.index_cast %scan3A_210 : i32 to index
        %get3A_229 = arith.constant 16 : index
        %get3A_230 = tpu.vector_load %arg10[%get3A_228, %get3A_229] {strides = array<i32>} : memref<64x256xf32, #tpu.memory_space<vmem>>, vector<1x16xf32>,
        %get3A_231 = vector.shape_cast %get3A_230 : vector<1x16xf32> to vector<16xf32>
        %add3A_232 = arith.addf %get3A_227, %get3A_231 : vector<16xf32>
        %swap3A_233 = arith.index_cast %scan3A_210 : i32 to index
        %swap3A_234 = arith.constant 16 : index
        %swap3A_235 = tpu.vector_load %arg9[%swap3A_233, %swap3A_234] {strides = array<i32>} : memref<64x256xf32, #tpu.memory_space<vmem>>, vector<1x16xf32>,
        %swap3A_236 = vector.shape_cast %swap3A_235 : vector<1x16xf32> to vector<16xf32>
        %swap3A_237 = vector.shape_cast %add3A_232 : vector<16xf32> to vector<1x16xf32>
        tpu.vector_store %arg9[%swap3A_233, %swap3A_234], %swap3A_237 {strides = array<i32>} : memref<64x256xf32, #tpu.memory_space<vmem>>, vector<1x16xf32>,
        %get3A_238 = arith.index_cast %scan3A_210 : i32 to index
        %get3A_239 = arith.constant 32 : index
        %get3A_240 = tpu.vector_load %arg9[%get3A_238, %get3A_239] {strides = array<i32>} : memref<64x256xf32, #tpu.memory_space<vmem>>, vector<1x16xf32>,
        %get3A_241 = vector.shape_cast %get3A_240 : vector<1x16xf32> to vector<16xf32>
        %get3A_242 = arith.index_cast %scan3A_210 : i32 to index
        %get3A_243 = arith.constant 32 : index
        %get3A_244 = tpu.vector_load %arg10[%get3A_242, %get3A_243] {strides = array<i32>} : memref<64x256xf32, #tpu.memory_space<vmem>>, vector<1x16xf32>,
        %get3A_245 = vector.shape_cast %get3A_244 : vector<1x16xf32> to vector<16xf32>
        %add3A_246 = arith.addf %get3A_241, %get3A_245 : vector<16xf32>
        %swap3A_247 = arith.index_cast %scan3A_210 : i32 to index
        %swap3A_248 = arith.constant 32 : index
        %swap3A_249 = tpu.vector_load %arg9[%swap3A_247, %swap3A_248] {strides = array<i32>} : memref<64x256xf32, #tpu.memory_space<vmem>>, vector<1x16xf32>,
        %swap3A_250 = vector.shape_cast %swap3A_249 : vector<1x16xf32> to vector<16xf32>
        %swap3A_251 = vector.shape_cast %add3A_246 : vector<16xf32> to vector<1x16xf32>
        tpu.vector_store %arg9[%swap3A_247, %swap3A_248], %swap3A_251 {strides = array<i32>} : memref<64x256xf32, #tpu.memory_space<vmem>>, vector<1x16xf32>,
        %get3A_252 = arith.index_cast %scan3A_210 : i32 to index
        %get3A_253 = arith.constant 48 : index
        %get3A_254 = tpu.vector_load %arg9[%get3A_252, %get3A_253] {strides = array<i32>} : memref<64x256xf32, #tpu.memory_space<vmem>>, vector<1x16xf32>,
        %get3A_255 = vector.shape_cast %get3A_254 : vector<1x16xf32> to vector<16xf32>
        %get3A_256 = arith.index_cast %scan3A_210 : i32 to index
        %get3A_257 = arith.constant 48 : index
        %get3A_258 = tpu.vector_load %arg10[%get3A_256, %get3A_257] {strides = array<i32>} : memref<64x256xf32, #tpu.memory_space<vmem>>, vector<1x16xf32>,
        %get3A_259 = vector.shape_cast %get3A_258 : vector<1x16xf32> to vector<16xf32>
        %add3A_260 = arith.addf %get3A_255, %get3A_259 : vector<16xf32>
        %swap3A_261 = arith.index_cast %scan3A_210 : i32 to index
        %swap3A_262 = arith.constant 48 : index
        %swap3A_263 = tpu.vector_load %arg9[%swap3A_261, %swap3A_262] {strides = array<i32>} : memref<64x256xf32, #tpu.memory_space<vmem>>, vector<1x16xf32>,
        %swap3A_264 = vector.shape_cast %swap3A_263 : vector<1x16xf32> to vector<16xf32>
        %swap3A_265 = vector.shape_cast %add3A_260 : vector<16xf32> to vector<1x16xf32>
        tpu.vector_store %arg9[%swap3A_261, %swap3A_262], %swap3A_265 {strides = array<i32>} : memref<64x256xf32, #tpu.memory_space<vmem>>, vector<1x16xf32>,
        %get3A_266 = arith.index_cast %scan3A_210 : i32 to index
        %get3A_267 = arith.constant 64 : index
        %get3A_268 = tpu.vector_load %arg9[%get3A_266, %get3A_267] {strides = array<i32>} : memref<64x256xf32, #tpu.memory_space<vmem>>, vector<1x16xf32>,
        %get3A_269 = vector.shape_cast %get3A_268 : vector<1x16xf32> to vector<16xf32>
        %get3A_270 = arith.index_cast %scan3A_210 : i32 to index
        %get3A_271 = arith.constant 64 : index
        %get3A_272 = tpu.vector_load %arg10[%get3A_270, %get3A_271] {strides = array<i32>} : memref<64x256xf32, #tpu.memory_space<vmem>>, vector<1x16xf32>,
        %get3A_273 = vector.shape_cast %get3A_272 : vector<1x16xf32> to vector<16xf32>
        %add3A_274 = arith.addf %get3A_269, %get3A_273 : vector<16xf32>
        %swap3A_275 = arith.index_cast %scan3A_210 : i32 to index
        %swap3A_276 = arith.constant 64 : index
        %swap3A_277 = tpu.vector_load %arg9[%swap3A_275, %swap3A_276] {strides = array<i32>} : memref<64x256xf32, #tpu.memory_space<vmem>>, vector<1x16xf32>,
        %swap3A_278 = vector.shape_cast %swap3A_277 : vector<1x16xf32> to vector<16xf32>
        %swap3A_279 = vector.shape_cast %add3A_274 : vector<16xf32> to vector<1x16xf32>
        tpu.vector_store %arg9[%swap3A_275, %swap3A_276], %swap3A_279 {strides = array<i32>} : memref<64x256xf32, #tpu.memory_space<vmem>>, vector<1x16xf32>,
        %get3A_280 = arith.index_cast %scan3A_210 : i32 to index
        %get3A_281 = arith.constant 80 : index
        %get3A_282 = tpu.vector_load %arg9[%get3A_280, %get3A_281] {strides = array<i32>} : memref<64x256xf32, #tpu.memory_space<vmem>>, vector<1x16xf32>,
        %get3A_283 = vector.shape_cast %get3A_282 : vector<1x16xf32> to vector<16xf32>
        %get3A_284 = arith.index_cast %scan3A_210 : i32 to index
        %get3A_285 = arith.constant 80 : index
        %get3A_286 = tpu.vector_load %arg10[%get3A_284, %get3A_285] {strides = array<i32>} : memref<64x256xf32, #tpu.memory_space<vmem>>, vector<1x16xf32>,
        %get3A_287 = vector.shape_cast %get3A_286 : vector<1x16xf32> to vector<16xf32>
        %add3A_288 = arith.addf %get3A_283, %get3A_287 : vector<16xf32>
        %swap3A_289 = arith.index_cast %scan3A_210 : i32 to index
        %swap3A_290 = arith.constant 80 : index
        %swap3A_291 = tpu.vector_load %arg9[%swap3A_289, %swap3A_290] {strides = array<i32>} : memref<64x256xf32, #tpu.memory_space<vmem>>, vector<1x16xf32>,
        %swap3A_292 = vector.shape_cast %swap3A_291 : vector<1x16xf32> to vector<16xf32>
        %swap3A_293 = vector.shape_cast %add3A_288 : vector<16xf32> to vector<1x16xf32>
        tpu.vector_store %arg9[%swap3A_289, %swap3A_290], %swap3A_293 {strides = array<i32>} : memref<64x256xf32, #tpu.memory_space<vmem>>, vector<1x16xf32>,
        %get3A_294 = arith.index_cast %scan3A_210 : i32 to index
        %get3A_295 = arith.constant 96 : index
        %get3A_296 = tpu.vector_load %arg9[%get3A_294, %get3A_295] {strides = array<i32>} : memref<64x256xf32, #tpu.memory_space<vmem>>, vector<1x16xf32>,
        %get3A_297 = vector.shape_cast %get3A_296 : vector<1x16xf32> to vector<16xf32>
        %get3A_298 = arith.index_cast %scan3A_210 : i32 to index
        %get3A_299 = arith.constant 96 : index
        %get3A_300 = tpu.vector_load %arg10[%get3A_298, %get3A_299] {strides = array<i32>} : memref<64x256xf32, #tpu.memory_space<vmem>>, vector<1x16xf32>,
        %get3A_301 = vector.shape_cast %get3A_300 : vector<1x16xf32> to vector<16xf32>
        %add3A_302 = arith.addf %get3A_297, %get3A_301 : vector<16xf32>
        %swap3A_303 = arith.index_cast %scan3A_210 : i32 to index
        %swap3A_304 = arith.constant 96 : index
        %swap3A_305 = tpu.vector_load %arg9[%swap3A_303, %swap3A_304] {strides = array<i32>} : memref<64x256xf32, #tpu.memory_space<vmem>>, vector<1x16xf32>,
        %swap3A_306 = vector.shape_cast %swap3A_305 : vector<1x16xf32> to vector<16xf32>
        %swap3A_307 = vector.shape_cast %add3A_302 : vector<16xf32> to vector<1x16xf32>
        tpu.vector_store %arg9[%swap3A_303, %swap3A_304], %swap3A_307 {strides = array<i32>} : memref<64x256xf32, #tpu.memory_space<vmem>>, vector<1x16xf32>,
        %get3A_308 = arith.index_cast %scan3A_210 : i32 to index
        %get3A_309 = arith.constant 112 : index
        %get3A_310 = tpu.vector_load %arg9[%get3A_308, %get3A_309] {strides = array<i32>} : memref<64x256xf32, #tpu.memory_space<vmem>>, vector<1x16xf32>,
        %get3A_311 = vector.shape_cast %get3A_310 : vector<1x16xf32> to vector<16xf32>
        %get3A_312 = arith.index_cast %scan3A_210 : i32 to index
        %get3A_313 = arith.constant 112 : index
        %get3A_314 = tpu.vector_load %arg10[%get3A_312, %get3A_313] {strides = array<i32>} : memref<64x256xf32, #tpu.memory_space<vmem>>, vector<1x16xf32>,
        %get3A_315 = vector.shape_cast %get3A_314 : vector<1x16xf32> to vector<16xf32>
        %add3A_316 = arith.addf %get3A_311, %get3A_315 : vector<16xf32>
        %swap3A_317 = arith.index_cast %scan3A_210 : i32 to index
        %swap3A_318 = arith.constant 112 : index
        %swap3A_319 = tpu.vector_load %arg9[%swap3A_317, %swap3A_318] {strides = array<i32>} : memref<64x256xf32, #tpu.memory_space<vmem>>, vector<1x16xf32>,
        %swap3A_320 = vector.shape_cast %swap3A_319 : vector<1x16xf32> to vector<16xf32>
        %swap3A_321 = vector.shape_cast %add3A_316 : vector<16xf32> to vector<1x16xf32>
        tpu.vector_store %arg9[%swap3A_317, %swap3A_318], %swap3A_321 {strides = array<i32>} : memref<64x256xf32, #tpu.memory_space<vmem>>, vector<1x16xf32>,
        %get3A_322 = arith.index_cast %scan3A_210 : i32 to index
        %get3A_323 = arith.constant 128 : index
        %get3A_324 = tpu.vector_load %arg9[%get3A_322, %get3A_323] {strides = array<i32>} : memref<64x256xf32, #tpu.memory_space<vmem>>, vector<1x16xf32>,
        %get3A_325 = vector.shape_cast %get3A_324 : vector<1x16xf32> to vector<16xf32>
        %get3A_326 = arith.index_cast %scan3A_210 : i32 to index
        %get3A_327 = arith.constant 128 : index
        %get3A_328 = tpu.vector_load %arg10[%get3A_326, %get3A_327] {strides = array<i32>} : memref<64x256xf32, #tpu.memory_space<vmem>>, vector<1x16xf32>,
        %get3A_329 = vector.shape_cast %get3A_328 : vector<1x16xf32> to vector<16xf32>
        %add3A_330 = arith.addf %get3A_325, %get3A_329 : vector<16xf32>
        %swap3A_331 = arith.index_cast %scan3A_210 : i32 to index
        %swap3A_332 = arith.constant 128 : index
        %swap3A_333 = tpu.vector_load %arg9[%swap3A_331, %swap3A_332] {strides = array<i32>} : memref<64x256xf32, #tpu.memory_space<vmem>>, vector<1x16xf32>,
        %swap3A_334 = vector.shape_cast %swap3A_333 : vector<1x16xf32> to vector<16xf32>
        %swap3A_335 = vector.shape_cast %add3A_330 : vector<16xf32> to vector<1x16xf32>
        tpu.vector_store %arg9[%swap3A_331, %swap3A_332], %swap3A_335 {strides = array<i32>} : memref<64x256xf32, #tpu.memory_space<vmem>>, vector<1x16xf32>,
        %get3A_336 = arith.index_cast %scan3A_210 : i32 to index
        %get3A_337 = arith.constant 144 : index
        %get3A_338 = tpu.vector_load %arg9[%get3A_336, %get3A_337] {strides = array<i32>} : memref<64x256xf32, #tpu.memory_space<vmem>>, vector<1x16xf32>,
        %get3A_339 = vector.shape_cast %get3A_338 : vector<1x16xf32> to vector<16xf32>
        %get3A_340 = arith.index_cast %scan3A_210 : i32 to index
        %get3A_341 = arith.constant 144 : index
        %get3A_342 = tpu.vector_load %arg10[%get3A_340, %get3A_341] {strides = array<i32>} : memref<64x256xf32, #tpu.memory_space<vmem>>, vector<1x16xf32>,
        %get3A_343 = vector.shape_cast %get3A_342 : vector<1x16xf32> to vector<16xf32>
        %add3A_344 = arith.addf %get3A_339, %get3A_343 : vector<16xf32>
        %swap3A_345 = arith.index_cast %scan3A_210 : i32 to index
        %swap3A_346 = arith.constant 144 : index
        %swap3A_347 = tpu.vector_load %arg9[%swap3A_345, %swap3A_346] {strides = array<i32>} : memref<64x256xf32, #tpu.memory_space<vmem>>, vector<1x16xf32>,
        %swap3A_348 = vector.shape_cast %swap3A_347 : vector<1x16xf32> to vector<16xf32>
        %swap3A_349 = vector.shape_cast %add3A_344 : vector<16xf32> to vector<1x16xf32>
        tpu.vector_store %arg9[%swap3A_345, %swap3A_346], %swap3A_349 {strides = array<i32>} : memref<64x256xf32, #tpu.memory_space<vmem>>, vector<1x16xf32>,
        %get3A_350 = arith.index_cast %scan3A_210 : i32 to index
        %get3A_351 = arith.constant 160 : index
        %get3A_352 = tpu.vector_load %arg9[%get3A_350, %get3A_351] {strides = array<i32>} : memref<64x256xf32, #tpu.memory_space<vmem>>, vector<1x16xf32>,
        %get3A_353 = vector.shape_cast %get3A_352 : vector<1x16xf32> to vector<16xf32>
        %get3A_354 = arith.index_cast %scan3A_210 : i32 to index
        %get3A_355 = arith.constant 160 : index
        %get3A_356 = tpu.vector_load %arg10[%get3A_354, %get3A_355] {strides = array<i32>} : memref<64x256xf32, #tpu.memory_space<vmem>>, vector<1x16xf32>,
        %get3A_357 = vector.shape_cast %get3A_356 : vector<1x16xf32> to vector<16xf32>
        %add3A_358 = arith.addf %get3A_353, %get3A_357 : vector<16xf32>
        %swap3A_359 = arith.index_cast %scan3A_210 : i32 to index
        %swap3A_360 = arith.constant 160 : index
        %swap3A_361 = tpu.vector_load %arg9[%swap3A_359, %swap3A_360] {strides = array<i32>} : memref<64x256xf32, #tpu.memory_space<vmem>>, vector<1x16xf32>,
        %swap3A_362 = vector.shape_cast %swap3A_361 : vector<1x16xf32> to vector<16xf32>
        %swap3A_363 = vector.shape_cast %add3A_358 : vector<16xf32> to vector<1x16xf32>
        tpu.vector_store %arg9[%swap3A_359, %swap3A_360], %swap3A_363 {strides = array<i32>} : memref<64x256xf32, #tpu.memory_space<vmem>>, vector<1x16xf32>,
        %get3A_364 = arith.index_cast %scan3A_210 : i32 to index
        %get3A_365 = arith.constant 176 : index
        %get3A_366 = tpu.vector_load %arg9[%get3A_364, %get3A_365] {strides = array<i32>} : memref<64x256xf32, #tpu.memory_space<vmem>>, vector<1x16xf32>,
        %get3A_367 = vector.shape_cast %get3A_366 : vector<1x16xf32> to vector<16xf32>
        %get3A_368 = arith.index_cast %scan3A_210 : i32 to index
        %get3A_369 = arith.constant 176 : index
        %get3A_370 = tpu.vector_load %arg10[%get3A_368, %get3A_369] {strides = array<i32>} : memref<64x256xf32, #tpu.memory_space<vmem>>, vector<1x16xf32>,
        %get3A_371 = vector.shape_cast %get3A_370 : vector<1x16xf32> to vector<16xf32>
        %add3A_372 = arith.addf %get3A_367, %get3A_371 : vector<16xf32>
        %swap3A_373 = arith.index_cast %scan3A_210 : i32 to index
        %swap3A_374 = arith.constant 176 : index
        %swap3A_375 = tpu.vector_load %arg9[%swap3A_373, %swap3A_374] {strides = array<i32>} : memref<64x256xf32, #tpu.memory_space<vmem>>, vector<1x16xf32>,
        %swap3A_376 = vector.shape_cast %swap3A_375 : vector<1x16xf32> to vector<16xf32>
        %swap3A_377 = vector.shape_cast %add3A_372 : vector<16xf32> to vector<1x16xf32>
        tpu.vector_store %arg9[%swap3A_373, %swap3A_374], %swap3A_377 {strides = array<i32>} : memref<64x256xf32, #tpu.memory_space<vmem>>, vector<1x16xf32>,
        %get3A_378 = arith.index_cast %scan3A_210 : i32 to index
        %get3A_379 = arith.constant 192 : index
        %get3A_380 = tpu.vector_load %arg9[%get3A_378, %get3A_379] {strides = array<i32>} : memref<64x256xf32, #tpu.memory_space<vmem>>, vector<1x16xf32>,
        %get3A_381 = vector.shape_cast %get3A_380 : vector<1x16xf32> to vector<16xf32>
        %get3A_382 = arith.index_cast %scan3A_210 : i32 to index
        %get3A_383 = arith.constant 192 : index
        %get3A_384 = tpu.vector_load %arg10[%get3A_382, %get3A_383] {strides = array<i32>} : memref<64x256xf32, #tpu.memory_space<vmem>>, vector<1x16xf32>,
        %get3A_385 = vector.shape_cast %get3A_384 : vector<1x16xf32> to vector<16xf32>
        %add3A_386 = arith.addf %get3A_381, %get3A_385 : vector<16xf32>
        %swap3A_387 = arith.index_cast %scan3A_210 : i32 to index
        %swap3A_388 = arith.constant 192 : index
        %swap3A_389 = tpu.vector_load %arg9[%swap3A_387, %swap3A_388] {strides = array<i32>} : memref<64x256xf32, #tpu.memory_space<vmem>>, vector<1x16xf32>,
        %swap3A_390 = vector.shape_cast %swap3A_389 : vector<1x16xf32> to vector<16xf32>
        %swap3A_391 = vector.shape_cast %add3A_386 : vector<16xf32> to vector<1x16xf32>
        tpu.vector_store %arg9[%swap3A_387, %swap3A_388], %swap3A_391 {strides = array<i32>} : memref<64x256xf32, #tpu.memory_space<vmem>>, vector<1x16xf32>,
        %get3A_392 = arith.index_cast %scan3A_210 : i32 to index
        %get3A_393 = arith.constant 208 : index
        %get3A_394 = tpu.vector_load %arg9[%get3A_392, %get3A_393] {strides = array<i32>} : memref<64x256xf32, #tpu.memory_space<vmem>>, vector<1x16xf32>,
        %get3A_395 = vector.shape_cast %get3A_394 : vector<1x16xf32> to vector<16xf32>
        %get3A_396 = arith.index_cast %scan3A_210 : i32 to index
        %get3A_397 = arith.constant 208 : index
        %get3A_398 = tpu.vector_load %arg10[%get3A_396, %get3A_397] {strides = array<i32>} : memref<64x256xf32, #tpu.memory_space<vmem>>, vector<1x16xf32>,
        %get3A_399 = vector.shape_cast %get3A_398 : vector<1x16xf32> to vector<16xf32>
        %add3A_400 = arith.addf %get3A_395, %get3A_399 : vector<16xf32>
        %swap3A_401 = arith.index_cast %scan3A_210 : i32 to index
        %swap3A_402 = arith.constant 208 : index
        %swap3A_403 = tpu.vector_load %arg9[%swap3A_401, %swap3A_402] {strides = array<i32>} : memref<64x256xf32, #tpu.memory_space<vmem>>, vector<1x16xf32>,
        %swap3A_404 = vector.shape_cast %swap3A_403 : vector<1x16xf32> to vector<16xf32>
        %swap3A_405 = vector.shape_cast %add3A_400 : vector<16xf32> to vector<1x16xf32>
        tpu.vector_store %arg9[%swap3A_401, %swap3A_402], %swap3A_405 {strides = array<i32>} : memref<64x256xf32, #tpu.memory_space<vmem>>, vector<1x16xf32>,
        %get3A_406 = arith.index_cast %scan3A_210 : i32 to index
        %get3A_407 = arith.constant 224 : index
        %get3A_408 = tpu.vector_load %arg9[%get3A_406, %get3A_407] {strides = array<i32>} : memref<64x256xf32, #tpu.memory_space<vmem>>, vector<1x16xf32>,
        %get3A_409 = vector.shape_cast %get3A_408 : vector<1x16xf32> to vector<16xf32>
        %get3A_410 = arith.index_cast %scan3A_210 : i32 to index
        %get3A_411 = arith.constant 224 : index
        %get3A_412 = tpu.vector_load %arg10[%get3A_410, %get3A_411] {strides = array<i32>} : memref<64x256xf32, #tpu.memory_space<vmem>>, vector<1x16xf32>,
        %get3A_413 = vector.shape_cast %get3A_412 : vector<1x16xf32> to vector<16xf32>
        %add3A_414 = arith.addf %get3A_409, %get3A_413 : vector<16xf32>
        %swap3A_415 = arith.index_cast %scan3A_210 : i32 to index
        %swap3A_416 = arith.constant 224 : index
        %swap3A_417 = tpu.vector_load %arg9[%swap3A_415, %swap3A_416] {strides = array<i32>} : memref<64x256xf32, #tpu.memory_space<vmem>>, vector<1x16xf32>,
        %swap3A_418 = vector.shape_cast %swap3A_417 : vector<1x16xf32> to vector<16xf32>
        %swap3A_419 = vector.shape_cast %add3A_414 : vector<16xf32> to vector<1x16xf32>
        tpu.vector_store %arg9[%swap3A_415, %swap3A_416], %swap3A_419 {strides = array<i32>} : memref<64x256xf32, #tpu.memory_space<vmem>>, vector<1x16xf32>,
        %get3A_420 = arith.index_cast %scan3A_210 : i32 to index
        %get3A_421 = arith.constant 240 : index
        %get3A_422 = tpu.vector_load %arg9[%get3A_420, %get3A_421] {strides = array<i32>} : memref<64x256xf32, #tpu.memory_space<vmem>>, vector<1x16xf32>,
        %get3A_423 = vector.shape_cast %get3A_422 : vector<1x16xf32> to vector<16xf32>
        %get3A_424 = arith.index_cast %scan3A_210 : i32 to index
        %get3A_425 = arith.constant 240 : index
        %get3A_426 = tpu.vector_load %arg10[%get3A_424, %get3A_425] {strides = array<i32>} : memref<64x256xf32, #tpu.memory_space<vmem>>, vector<1x16xf32>,
        %get3A_427 = vector.shape_cast %get3A_426 : vector<1x16xf32> to vector<16xf32>
        %add3A_428 = arith.addf %get3A_423, %get3A_427 : vector<16xf32>
        %swap3A_429 = arith.index_cast %scan3A_210 : i32 to index
        %swap3A_430 = arith.constant 240 : index
        %swap3A_431 = tpu.vector_load %arg9[%swap3A_429, %swap3A_430] {strides = array<i32>} : memref<64x256xf32, #tpu.memory_space<vmem>>, vector<1x16xf32>,
        %swap3A_432 = vector.shape_cast %swap3A_431 : vector<1x16xf32> to vector<16xf32>
        %swap3A_433 = vector.shape_cast %add3A_428 : vector<16xf32> to vector<1x16xf32>
        tpu.vector_store %arg9[%swap3A_429, %swap3A_430], %swap3A_433 {strides = array<i32>} : memref<64x256xf32, #tpu.memory_space<vmem>>, vector<1x16xf32>,
      }
      %scan3A_47 = arith.constant 64 : i32
      %broadcast_in_dim3A_48 = arith.constant 0 : i32
      %broadcast_in_dim3A_49 = vector.broadcast %broadcast_in_dim3A_48 : i32 to vector<16xi32>
      %iota3A_50 = tpu.iota {dimensions = array<i32: 0>} : vector<16xi32>
      %add3A_51 = arith.addi %iota3A_50, %broadcast_in_dim3A_49 : vector<16xi32>
      %shift_right_arithmetic3A = arith.shrsi %add3A_51, %broadcast_in_dim3A_3 : vector<16xi32>
      %swap3A_52 = arith.constant 0 : index
      %swap3A_53 = tpu.vector_load %arg8[%swap3A_52] {strides = array<i32>} : memref<64xi32, #tpu.memory_space<vmem>>, vector<16xi32>,
      %swap3A_54 = vector.shape_cast %swap3A_53 : vector<16xi32> to vector<16xi32>
      %swap3A_55 = vector.shape_cast %shift_right_arithmetic3A : vector<16xi32> to vector<16xi32>
      tpu.vector_store %arg8[%swap3A_52], %swap3A_55 {strides = array<i32>} : memref<64xi32, #tpu.memory_space<vmem>>, vector<16xi32>,
      %broadcast_in_dim3A_56 = arith.constant 16 : i32
      %broadcast_in_dim3A_57 = vector.broadcast %broadcast_in_dim3A_56 : i32 to vector<16xi32>
      %iota3A_58 = tpu.iota {dimensions = array<i32: 0>} : vector<16xi32>
      %add3A_59 = arith.addi %iota3A_58, %broadcast_in_dim3A_57 : vector<16xi32>
      %shift_right_arithmetic3A_60 = arith.shrsi %add3A_59, %broadcast_in_dim3A_3 : vector<16xi32>
      %swap3A_61 = arith.constant 16 : index
      %swap3A_62 = tpu.vector_load %arg8[%swap3A_61] {strides = array<i32>} : memref<64xi32, #tpu.memory_space<vmem>>, vector<16xi32>,
      %swap3A_63 = vector.shape_cast %swap3A_62 : vector<16xi32> to vector<16xi32>
      %swap3A_64 = vector.shape_cast %shift_right_arithmetic3A_60 : vector<16xi32> to vector<16xi32>
      tpu.vector_store %arg8[%swap3A_61], %swap3A_64 {strides = array<i32>} : memref<64xi32, #tpu.memory_space<vmem>>, vector<16xi32>,
      %broadcast_in_dim3A_65 = arith.constant 32 : i32
      %broadcast_in_dim3A_66 = vector.broadcast %broadcast_in_dim3A_65 : i32 to vector<16xi32>
      %iota3A_67 = tpu.iota {dimensions = array<i32: 0>} : vector<16xi32>
      %add3A_68 = arith.addi %iota3A_67, %broadcast_in_dim3A_66 : vector<16xi32>
      %shift_right_arithmetic3A_69 = arith.shrsi %add3A_68, %broadcast_in_dim3A_3 : vector<16xi32>
      %swap3A_70 = arith.constant 32 : index
      %swap3A_71 = tpu.vector_load %arg8[%swap3A_70] {strides = array<i32>} : memref<64xi32, #tpu.memory_space<vmem>>, vector<16xi32>,
      %swap3A_72 = vector.shape_cast %swap3A_71 : vector<16xi32> to vector<16xi32>
      %swap3A_73 = vector.shape_cast %shift_right_arithmetic3A_69 : vector<16xi32> to vector<16xi32>
      tpu.vector_store %arg8[%swap3A_70], %swap3A_73 {strides = array<i32>} : memref<64xi32, #tpu.memory_space<vmem>>, vector<16xi32>,
      %broadcast_in_dim3A_74 = arith.constant 48 : i32
      %broadcast_in_dim3A_75 = vector.broadcast %broadcast_in_dim3A_74 : i32 to vector<16xi32>
      %iota3A_76 = tpu.iota {dimensions = array<i32: 0>} : vector<16xi32>
      %add3A_77 = arith.addi %iota3A_76, %broadcast_in_dim3A_75 : vector<16xi32>
      %shift_right_arithmetic3A_78 = arith.shrsi %add3A_77, %broadcast_in_dim3A_3 : vector<16xi32>
      %swap3A_79 = arith.constant 48 : index
      %swap3A_80 = tpu.vector_load %arg8[%swap3A_79] {strides = array<i32>} : memref<64xi32, #tpu.memory_space<vmem>>, vector<16xi32>,
      %swap3A_81 = vector.shape_cast %swap3A_80 : vector<16xi32> to vector<16xi32>
      %swap3A_82 = vector.shape_cast %shift_right_arithmetic3A_78 : vector<16xi32> to vector<16xi32>
      tpu.vector_store %arg8[%swap3A_79], %swap3A_82 {strides = array<i32>} : memref<64xi32, #tpu.memory_space<vmem>>, vector<16xi32>,
      %dma_start3A_83 = arith.constant 0 : i32
      %dma_start3A_84 = arith.constant 0 : i32
      %dma_start3A_85 = tpu.memref_slice %arg4[%dma_start3A_83, %dma_start3A_84] : memref<8x256xf32, #tpu.memory_space<hbm>> -> memref<8x256xf32, #tpu.memory_space<hbm>>
      tpu.enqueue_indirect_dma source(%dma_start3A_85 : memref<8x256xf32, #tpu.memory_space<hbm>>) target(%arg10 : memref<64x256xf32, #tpu.memory_space<vmem>>) offsets(%arg8 : memref<64xi32, #tpu.memory_space<vmem>>) semaphore(%arg11 : memref<!tpu.dma_semaphore, #tpu.memory_space<semaphore_mem>>)
      %dma_wait3A_86 = arith.constant 0 : i32
      %dma_wait3A_87 = arith.constant 0 : i32
      %dma_wait3A_88 = tpu.memref_slice %arg4[%dma_wait3A_86, %dma_wait3A_87] : memref<8x256xf32, #tpu.memory_space<hbm>> -> memref<8x256xf32, #tpu.memory_space<hbm>>
      tpu.wait_indirect_dma semaphore(%arg11 : memref<!tpu.dma_semaphore, #tpu.memory_space<semaphore_mem>>) src(%dma_wait3A_88 : memref<8x256xf32, #tpu.memory_space<hbm>>) dst(%arg10 : memref<64x256xf32, #tpu.memory_space<vmem>>)
      %scan3A_89 = arith.constant 0 : i32
      %scan3A_90 = arith.constant 0 : i32
      %scan3A_91 = arith.constant 64 : i32
      %scan3A_92 = arith.addi %scan3A_90, %scan3A_91 : i32
      %scan3A_93 = arith.constant 1 : i32
      scf.for %scan3A_210 = %scan3A_90 to %scan3A_92 step %scan3A_93  : i32 {
        %get3A = arith.index_cast %scan3A_210 : i32 to index
        %get3A_211 = arith.constant 0 : index
        %get3A_212 = tpu.vector_load %arg9[%get3A, %get3A_211] {strides = array<i32>} : memref<64x256xf32, #tpu.memory_space<vmem>>, vector<1x16xf32>,
        %get3A_213 = vector.shape_cast %get3A_212 : vector<1x16xf32> to vector<16xf32>
        %get3A_214 = arith.index_cast %scan3A_210 : i32 to index
        %get3A_215 = arith.constant 0 : index
        %get3A_216 = tpu.vector_load %arg10[%get3A_214, %get3A_215] {strides = array<i32>} : memref<64x256xf32, #tpu.memory_space<vmem>>, vector<1x16xf32>,
        %get3A_217 = vector.shape_cast %get3A_216 : vector<1x16xf32> to vector<16xf32>
        %add3A_218 = arith.addf %get3A_213, %get3A_217 : vector<16xf32>
        %swap3A_219 = arith.index_cast %scan3A_210 : i32 to index
        %swap3A_220 = arith.constant 0 : index
        %swap3A_221 = tpu.vector_load %arg9[%swap3A_219, %swap3A_220] {strides = array<i32>} : memref<64x256xf32, #tpu.memory_space<vmem>>, vector<1x16xf32>,
        %swap3A_222 = vector.shape_cast %swap3A_221 : vector<1x16xf32> to vector<16xf32>
        %swap3A_223 = vector.shape_cast %add3A_218 : vector<16xf32> to vector<1x16xf32>
        tpu.vector_store %arg9[%swap3A_219, %swap3A_220], %swap3A_223 {strides = array<i32>} : memref<64x256xf32, #tpu.memory_space<vmem>>, vector<1x16xf32>,
        %get3A_224 = arith.index_cast %scan3A_210 : i32 to index
        %get3A_225 = arith.constant 16 : index
        %get3A_226 = tpu.vector_load %arg9[%get3A_224, %get3A_225] {strides = array<i32>} : memref<64x256xf32, #tpu.memory_space<vmem>>, vector<1x16xf32>,
        %get3A_227 = vector.shape_cast %get3A_226 : vector<1x16xf32> to vector<16xf32>
        %get3A_228 = arith.index_cast %scan3A_210 : i32 to index
        %get3A_229 = arith.constant 16 : index
        %get3A_230 = tpu.vector_load %arg10[%get3A_228, %get3A_229] {strides = array<i32>} : memref<64x256xf32, #tpu.memory_space<vmem>>, vector<1x16xf32>,
        %get3A_231 = vector.shape_cast %get3A_230 : vector<1x16xf32> to vector<16xf32>
        %add3A_232 = arith.addf %get3A_227, %get3A_231 : vector<16xf32>
        %swap3A_233 = arith.index_cast %scan3A_210 : i32 to index
        %swap3A_234 = arith.constant 16 : index
        %swap3A_235 = tpu.vector_load %arg9[%swap3A_233, %swap3A_234] {strides = array<i32>} : memref<64x256xf32, #tpu.memory_space<vmem>>, vector<1x16xf32>,
        %swap3A_236 = vector.shape_cast %swap3A_235 : vector<1x16xf32> to vector<16xf32>
        %swap3A_237 = vector.shape_cast %add3A_232 : vector<16xf32> to vector<1x16xf32>
        tpu.vector_store %arg9[%swap3A_233, %swap3A_234], %swap3A_237 {strides = array<i32>} : memref<64x256xf32, #tpu.memory_space<vmem>>, vector<1x16xf32>,
        %get3A_238 = arith.index_cast %scan3A_210 : i32 to index
        %get3A_239 = arith.constant 32 : index
        %get3A_240 = tpu.vector_load %arg9[%get3A_238, %get3A_239] {strides = array<i32>} : memref<64x256xf32, #tpu.memory_space<vmem>>, vector<1x16xf32>,
        %get3A_241 = vector.shape_cast %get3A_240 : vector<1x16xf32> to vector<16xf32>
        %get3A_242 = arith.index_cast %scan3A_210 : i32 to index
        %get3A_243 = arith.constant 32 : index
        %get3A_244 = tpu.vector_load %arg10[%get3A_242, %get3A_243] {strides = array<i32>} : memref<64x256xf32, #tpu.memory_space<vmem>>, vector<1x16xf32>,
        %get3A_245 = vector.shape_cast %get3A_244 : vector<1x16xf32> to vector<16xf32>
        %add3A_246 = arith.addf %get3A_241, %get3A_245 : vector<16xf32>
        %swap3A_247 = arith.index_cast %scan3A_210 : i32 to index
        %swap3A_248 = arith.constant 32 : index
        %swap3A_249 = tpu.vector_load %arg9[%swap3A_247, %swap3A_248] {strides = array<i32>} : memref<64x256xf32, #tpu.memory_space<vmem>>, vector<1x16xf32>,
        %swap3A_250 = vector.shape_cast %swap3A_249 : vector<1x16xf32> to vector<16xf32>
        %swap3A_251 = vector.shape_cast %add3A_246 : vector<16xf32> to vector<1x16xf32>
        tpu.vector_store %arg9[%swap3A_247, %swap3A_248], %swap3A_251 {strides = array<i32>} : memref<64x256xf32, #tpu.memory_space<vmem>>, vector<1x16xf32>,
        %get3A_252 = arith.index_cast %scan3A_210 : i32 to index
        %get3A_253 = arith.constant 48 : index
        %get3A_254 = tpu.vector_load %arg9[%get3A_252, %get3A_253] {strides = array<i32>} : memref<64x256xf32, #tpu.memory_space<vmem>>, vector<1x16xf32>,
        %get3A_255 = vector.shape_cast %get3A_254 : vector<1x16xf32> to vector<16xf32>
        %get3A_256 = arith.index_cast %scan3A_210 : i32 to index
        %get3A_257 = arith.constant 48 : index
        %get3A_258 = tpu.vector_load %arg10[%get3A_256, %get3A_257] {strides = array<i32>} : memref<64x256xf32, #tpu.memory_space<vmem>>, vector<1x16xf32>,
        %get3A_259 = vector.shape_cast %get3A_258 : vector<1x16xf32> to vector<16xf32>
        %add3A_260 = arith.addf %get3A_255, %get3A_259 : vector<16xf32>
        %swap3A_261 = arith.index_cast %scan3A_210 : i32 to index
        %swap3A_262 = arith.constant 48 : index
        %swap3A_263 = tpu.vector_load %arg9[%swap3A_261, %swap3A_262] {strides = array<i32>} : memref<64x256xf32, #tpu.memory_space<vmem>>, vector<1x16xf32>,
        %swap3A_264 = vector.shape_cast %swap3A_263 : vector<1x16xf32> to vector<16xf32>
        %swap3A_265 = vector.shape_cast %add3A_260 : vector<16xf32> to vector<1x16xf32>
        tpu.vector_store %arg9[%swap3A_261, %swap3A_262], %swap3A_265 {strides = array<i32>} : memref<64x256xf32, #tpu.memory_space<vmem>>, vector<1x16xf32>,
        %get3A_266 = arith.index_cast %scan3A_210 : i32 to index
        %get3A_267 = arith.constant 64 : index
        %get3A_268 = tpu.vector_load %arg9[%get3A_266, %get3A_267] {strides = array<i32>} : memref<64x256xf32, #tpu.memory_space<vmem>>, vector<1x16xf32>,
        %get3A_269 = vector.shape_cast %get3A_268 : vector<1x16xf32> to vector<16xf32>
        %get3A_270 = arith.index_cast %scan3A_210 : i32 to index
        %get3A_271 = arith.constant 64 : index
        %get3A_272 = tpu.vector_load %arg10[%get3A_270, %get3A_271] {strides = array<i32>} : memref<64x256xf32, #tpu.memory_space<vmem>>, vector<1x16xf32>,
        %get3A_273 = vector.shape_cast %get3A_272 : vector<1x16xf32> to vector<16xf32>
        %add3A_274 = arith.addf %get3A_269, %get3A_273 : vector<16xf32>
        %swap3A_275 = arith.index_cast %scan3A_210 : i32 to index
        %swap3A_276 = arith.constant 64 : index
        %swap3A_277 = tpu.vector_load %arg9[%swap3A_275, %swap3A_276] {strides = array<i32>} : memref<64x256xf32, #tpu.memory_space<vmem>>, vector<1x16xf32>,
        %swap3A_278 = vector.shape_cast %swap3A_277 : vector<1x16xf32> to vector<16xf32>
        %swap3A_279 = vector.shape_cast %add3A_274 : vector<16xf32> to vector<1x16xf32>
        tpu.vector_store %arg9[%swap3A_275, %swap3A_276], %swap3A_279 {strides = array<i32>} : memref<64x256xf32, #tpu.memory_space<vmem>>, vector<1x16xf32>,
        %get3A_280 = arith.index_cast %scan3A_210 : i32 to index
        %get3A_281 = arith.constant 80 : index
        %get3A_282 = tpu.vector_load %arg9[%get3A_280, %get3A_281] {strides = array<i32>} : memref<64x256xf32, #tpu.memory_space<vmem>>, vector<1x16xf32>,
        %get3A_283 = vector.shape_cast %get3A_282 : vector<1x16xf32> to vector<16xf32>
        %get3A_284 = arith.index_cast %scan3A_210 : i32 to index
        %get3A_285 = arith.constant 80 : index
        %get3A_286 = tpu.vector_load %arg10[%get3A_284, %get3A_285] {strides = array<i32>} : memref<64x256xf32, #tpu.memory_space<vmem>>, vector<1x16xf32>,
        %get3A_287 = vector.shape_cast %get3A_286 : vector<1x16xf32> to vector<16xf32>
        %add3A_288 = arith.addf %get3A_283, %get3A_287 : vector<16xf32>
        %swap3A_289 = arith.index_cast %scan3A_210 : i32 to index
        %swap3A_290 = arith.constant 80 : index
        %swap3A_291 = tpu.vector_load %arg9[%swap3A_289, %swap3A_290] {strides = array<i32>} : memref<64x256xf32, #tpu.memory_space<vmem>>, vector<1x16xf32>,
        %swap3A_292 = vector.shape_cast %swap3A_291 : vector<1x16xf32> to vector<16xf32>
        %swap3A_293 = vector.shape_cast %add3A_288 : vector<16xf32> to vector<1x16xf32>
        tpu.vector_store %arg9[%swap3A_289, %swap3A_290], %swap3A_293 {strides = array<i32>} : memref<64x256xf32, #tpu.memory_space<vmem>>, vector<1x16xf32>,
        %get3A_294 = arith.index_cast %scan3A_210 : i32 to index
        %get3A_295 = arith.constant 96 : index
        %get3A_296 = tpu.vector_load %arg9[%get3A_294, %get3A_295] {strides = array<i32>} : memref<64x256xf32, #tpu.memory_space<vmem>>, vector<1x16xf32>,
        %get3A_297 = vector.shape_cast %get3A_296 : vector<1x16xf32> to vector<16xf32>
        %get3A_298 = arith.index_cast %scan3A_210 : i32 to index
        %get3A_299 = arith.constant 96 : index
        %get3A_300 = tpu.vector_load %arg10[%get3A_298, %get3A_299] {strides = array<i32>} : memref<64x256xf32, #tpu.memory_space<vmem>>, vector<1x16xf32>,
        %get3A_301 = vector.shape_cast %get3A_300 : vector<1x16xf32> to vector<16xf32>
        %add3A_302 = arith.addf %get3A_297, %get3A_301 : vector<16xf32>
        %swap3A_303 = arith.index_cast %scan3A_210 : i32 to index
        %swap3A_304 = arith.constant 96 : index
        %swap3A_305 = tpu.vector_load %arg9[%swap3A_303, %swap3A_304] {strides = array<i32>} : memref<64x256xf32, #tpu.memory_space<vmem>>, vector<1x16xf32>,
        %swap3A_306 = vector.shape_cast %swap3A_305 : vector<1x16xf32> to vector<16xf32>
        %swap3A_307 = vector.shape_cast %add3A_302 : vector<16xf32> to vector<1x16xf32>
        tpu.vector_store %arg9[%swap3A_303, %swap3A_304], %swap3A_307 {strides = array<i32>} : memref<64x256xf32, #tpu.memory_space<vmem>>, vector<1x16xf32>,
        %get3A_308 = arith.index_cast %scan3A_210 : i32 to index
        %get3A_309 = arith.constant 112 : index
        %get3A_310 = tpu.vector_load %arg9[%get3A_308, %get3A_309] {strides = array<i32>} : memref<64x256xf32, #tpu.memory_space<vmem>>, vector<1x16xf32>,
        %get3A_311 = vector.shape_cast %get3A_310 : vector<1x16xf32> to vector<16xf32>
        %get3A_312 = arith.index_cast %scan3A_210 : i32 to index
        %get3A_313 = arith.constant 112 : index
        %get3A_314 = tpu.vector_load %arg10[%get3A_312, %get3A_313] {strides = array<i32>} : memref<64x256xf32, #tpu.memory_space<vmem>>, vector<1x16xf32>,
        %get3A_315 = vector.shape_cast %get3A_314 : vector<1x16xf32> to vector<16xf32>
        %add3A_316 = arith.addf %get3A_311, %get3A_315 : vector<16xf32>
        %swap3A_317 = arith.index_cast %scan3A_210 : i32 to index
        %swap3A_318 = arith.constant 112 : index
        %swap3A_319 = tpu.vector_load %arg9[%swap3A_317, %swap3A_318] {strides = array<i32>} : memref<64x256xf32, #tpu.memory_space<vmem>>, vector<1x16xf32>,
        %swap3A_320 = vector.shape_cast %swap3A_319 : vector<1x16xf32> to vector<16xf32>
        %swap3A_321 = vector.shape_cast %add3A_316 : vector<16xf32> to vector<1x16xf32>
        tpu.vector_store %arg9[%swap3A_317, %swap3A_318], %swap3A_321 {strides = array<i32>} : memref<64x256xf32, #tpu.memory_space<vmem>>, vector<1x16xf32>,
        %get3A_322 = arith.index_cast %scan3A_210 : i32 to index
        %get3A_323 = arith.constant 128 : index
        %get3A_324 = tpu.vector_load %arg9[%get3A_322, %get3A_323] {strides = array<i32>} : memref<64x256xf32, #tpu.memory_space<vmem>>, vector<1x16xf32>,
        %get3A_325 = vector.shape_cast %get3A_324 : vector<1x16xf32> to vector<16xf32>
        %get3A_326 = arith.index_cast %scan3A_210 : i32 to index
        %get3A_327 = arith.constant 128 : index
        %get3A_328 = tpu.vector_load %arg10[%get3A_326, %get3A_327] {strides = array<i32>} : memref<64x256xf32, #tpu.memory_space<vmem>>, vector<1x16xf32>,
        %get3A_329 = vector.shape_cast %get3A_328 : vector<1x16xf32> to vector<16xf32>
        %add3A_330 = arith.addf %get3A_325, %get3A_329 : vector<16xf32>
        %swap3A_331 = arith.index_cast %scan3A_210 : i32 to index
        %swap3A_332 = arith.constant 128 : index
        %swap3A_333 = tpu.vector_load %arg9[%swap3A_331, %swap3A_332] {strides = array<i32>} : memref<64x256xf32, #tpu.memory_space<vmem>>, vector<1x16xf32>,
        %swap3A_334 = vector.shape_cast %swap3A_333 : vector<1x16xf32> to vector<16xf32>
        %swap3A_335 = vector.shape_cast %add3A_330 : vector<16xf32> to vector<1x16xf32>
        tpu.vector_store %arg9[%swap3A_331, %swap3A_332], %swap3A_335 {strides = array<i32>} : memref<64x256xf32, #tpu.memory_space<vmem>>, vector<1x16xf32>,
        %get3A_336 = arith.index_cast %scan3A_210 : i32 to index
        %get3A_337 = arith.constant 144 : index
        %get3A_338 = tpu.vector_load %arg9[%get3A_336, %get3A_337] {strides = array<i32>} : memref<64x256xf32, #tpu.memory_space<vmem>>, vector<1x16xf32>,
        %get3A_339 = vector.shape_cast %get3A_338 : vector<1x16xf32> to vector<16xf32>
        %get3A_340 = arith.index_cast %scan3A_210 : i32 to index
        %get3A_341 = arith.constant 144 : index
        %get3A_342 = tpu.vector_load %arg10[%get3A_340, %get3A_341] {strides = array<i32>} : memref<64x256xf32, #tpu.memory_space<vmem>>, vector<1x16xf32>,
        %get3A_343 = vector.shape_cast %get3A_342 : vector<1x16xf32> to vector<16xf32>
        %add3A_344 = arith.addf %get3A_339, %get3A_343 : vector<16xf32>
        %swap3A_345 = arith.index_cast %scan3A_210 : i32 to index
        %swap3A_346 = arith.constant 144 : index
        %swap3A_347 = tpu.vector_load %arg9[%swap3A_345, %swap3A_346] {strides = array<i32>} : memref<64x256xf32, #tpu.memory_space<vmem>>, vector<1x16xf32>,
        %swap3A_348 = vector.shape_cast %swap3A_347 : vector<1x16xf32> to vector<16xf32>
        %swap3A_349 = vector.shape_cast %add3A_344 : vector<16xf32> to vector<1x16xf32>
        tpu.vector_store %arg9[%swap3A_345, %swap3A_346], %swap3A_349 {strides = array<i32>} : memref<64x256xf32, #tpu.memory_space<vmem>>, vector<1x16xf32>,
        %get3A_350 = arith.index_cast %scan3A_210 : i32 to index
        %get3A_351 = arith.constant 160 : index
        %get3A_352 = tpu.vector_load %arg9[%get3A_350, %get3A_351] {strides = array<i32>} : memref<64x256xf32, #tpu.memory_space<vmem>>, vector<1x16xf32>,
        %get3A_353 = vector.shape_cast %get3A_352 : vector<1x16xf32> to vector<16xf32>
        %get3A_354 = arith.index_cast %scan3A_210 : i32 to index
        %get3A_355 = arith.constant 160 : index
        %get3A_356 = tpu.vector_load %arg10[%get3A_354, %get3A_355] {strides = array<i32>} : memref<64x256xf32, #tpu.memory_space<vmem>>, vector<1x16xf32>,
        %get3A_357 = vector.shape_cast %get3A_356 : vector<1x16xf32> to vector<16xf32>
        %add3A_358 = arith.addf %get3A_353, %get3A_357 : vector<16xf32>
        %swap3A_359 = arith.index_cast %scan3A_210 : i32 to index
        %swap3A_360 = arith.constant 160 : index
        %swap3A_361 = tpu.vector_load %arg9[%swap3A_359, %swap3A_360] {strides = array<i32>} : memref<64x256xf32, #tpu.memory_space<vmem>>, vector<1x16xf32>,
        %swap3A_362 = vector.shape_cast %swap3A_361 : vector<1x16xf32> to vector<16xf32>
        %swap3A_363 = vector.shape_cast %add3A_358 : vector<16xf32> to vector<1x16xf32>
        tpu.vector_store %arg9[%swap3A_359, %swap3A_360], %swap3A_363 {strides = array<i32>} : memref<64x256xf32, #tpu.memory_space<vmem>>, vector<1x16xf32>,
        %get3A_364 = arith.index_cast %scan3A_210 : i32 to index
        %get3A_365 = arith.constant 176 : index
        %get3A_366 = tpu.vector_load %arg9[%get3A_364, %get3A_365] {strides = array<i32>} : memref<64x256xf32, #tpu.memory_space<vmem>>, vector<1x16xf32>,
        %get3A_367 = vector.shape_cast %get3A_366 : vector<1x16xf32> to vector<16xf32>
        %get3A_368 = arith.index_cast %scan3A_210 : i32 to index
        %get3A_369 = arith.constant 176 : index
        %get3A_370 = tpu.vector_load %arg10[%get3A_368, %get3A_369] {strides = array<i32>} : memref<64x256xf32, #tpu.memory_space<vmem>>, vector<1x16xf32>,
        %get3A_371 = vector.shape_cast %get3A_370 : vector<1x16xf32> to vector<16xf32>
        %add3A_372 = arith.addf %get3A_367, %get3A_371 : vector<16xf32>
        %swap3A_373 = arith.index_cast %scan3A_210 : i32 to index
        %swap3A_374 = arith.constant 176 : index
        %swap3A_375 = tpu.vector_load %arg9[%swap3A_373, %swap3A_374] {strides = array<i32>} : memref<64x256xf32, #tpu.memory_space<vmem>>, vector<1x16xf32>,
        %swap3A_376 = vector.shape_cast %swap3A_375 : vector<1x16xf32> to vector<16xf32>
        %swap3A_377 = vector.shape_cast %add3A_372 : vector<16xf32> to vector<1x16xf32>
        tpu.vector_store %arg9[%swap3A_373, %swap3A_374], %swap3A_377 {strides = array<i32>} : memref<64x256xf32, #tpu.memory_space<vmem>>, vector<1x16xf32>,
        %get3A_378 = arith.index_cast %scan3A_210 : i32 to index
        %get3A_379 = arith.constant 192 : index
        %get3A_380 = tpu.vector_load %arg9[%get3A_378, %get3A_379] {strides = array<i32>} : memref<64x256xf32, #tpu.memory_space<vmem>>, vector<1x16xf32>,
        %get3A_381 = vector.shape_cast %get3A_380 : vector<1x16xf32> to vector<16xf32>
        %get3A_382 = arith.index_cast %scan3A_210 : i32 to index
        %get3A_383 = arith.constant 192 : index
        %get3A_384 = tpu.vector_load %arg10[%get3A_382, %get3A_383] {strides = array<i32>} : memref<64x256xf32, #tpu.memory_space<vmem>>, vector<1x16xf32>,
        %get3A_385 = vector.shape_cast %get3A_384 : vector<1x16xf32> to vector<16xf32>
        %add3A_386 = arith.addf %get3A_381, %get3A_385 : vector<16xf32>
        %swap3A_387 = arith.index_cast %scan3A_210 : i32 to index
        %swap3A_388 = arith.constant 192 : index
        %swap3A_389 = tpu.vector_load %arg9[%swap3A_387, %swap3A_388] {strides = array<i32>} : memref<64x256xf32, #tpu.memory_space<vmem>>, vector<1x16xf32>,
        %swap3A_390 = vector.shape_cast %swap3A_389 : vector<1x16xf32> to vector<16xf32>
        %swap3A_391 = vector.shape_cast %add3A_386 : vector<16xf32> to vector<1x16xf32>
        tpu.vector_store %arg9[%swap3A_387, %swap3A_388], %swap3A_391 {strides = array<i32>} : memref<64x256xf32, #tpu.memory_space<vmem>>, vector<1x16xf32>,
        %get3A_392 = arith.index_cast %scan3A_210 : i32 to index
        %get3A_393 = arith.constant 208 : index
        %get3A_394 = tpu.vector_load %arg9[%get3A_392, %get3A_393] {strides = array<i32>} : memref<64x256xf32, #tpu.memory_space<vmem>>, vector<1x16xf32>,
        %get3A_395 = vector.shape_cast %get3A_394 : vector<1x16xf32> to vector<16xf32>
        %get3A_396 = arith.index_cast %scan3A_210 : i32 to index
        %get3A_397 = arith.constant 208 : index
        %get3A_398 = tpu.vector_load %arg10[%get3A_396, %get3A_397] {strides = array<i32>} : memref<64x256xf32, #tpu.memory_space<vmem>>, vector<1x16xf32>,
        %get3A_399 = vector.shape_cast %get3A_398 : vector<1x16xf32> to vector<16xf32>
        %add3A_400 = arith.addf %get3A_395, %get3A_399 : vector<16xf32>
        %swap3A_401 = arith.index_cast %scan3A_210 : i32 to index
        %swap3A_402 = arith.constant 208 : index
        %swap3A_403 = tpu.vector_load %arg9[%swap3A_401, %swap3A_402] {strides = array<i32>} : memref<64x256xf32, #tpu.memory_space<vmem>>, vector<1x16xf32>,
        %swap3A_404 = vector.shape_cast %swap3A_403 : vector<1x16xf32> to vector<16xf32>
        %swap3A_405 = vector.shape_cast %add3A_400 : vector<16xf32> to vector<1x16xf32>
        tpu.vector_store %arg9[%swap3A_401, %swap3A_402], %swap3A_405 {strides = array<i32>} : memref<64x256xf32, #tpu.memory_space<vmem>>, vector<1x16xf32>,
        %get3A_406 = arith.index_cast %scan3A_210 : i32 to index
        %get3A_407 = arith.constant 224 : index
        %get3A_408 = tpu.vector_load %arg9[%get3A_406, %get3A_407] {strides = array<i32>} : memref<64x256xf32, #tpu.memory_space<vmem>>, vector<1x16xf32>,
        %get3A_409 = vector.shape_cast %get3A_408 : vector<1x16xf32> to vector<16xf32>
        %get3A_410 = arith.index_cast %scan3A_210 : i32 to index
        %get3A_411 = arith.constant 224 : index
        %get3A_412 = tpu.vector_load %arg10[%get3A_410, %get3A_411] {strides = array<i32>} : memref<64x256xf32, #tpu.memory_space<vmem>>, vector<1x16xf32>,
        %get3A_413 = vector.shape_cast %get3A_412 : vector<1x16xf32> to vector<16xf32>
        %add3A_414 = arith.addf %get3A_409, %get3A_413 : vector<16xf32>
        %swap3A_415 = arith.index_cast %scan3A_210 : i32 to index
        %swap3A_416 = arith.constant 224 : index
        %swap3A_417 = tpu.vector_load %arg9[%swap3A_415, %swap3A_416] {strides = array<i32>} : memref<64x256xf32, #tpu.memory_space<vmem>>, vector<1x16xf32>,
        %swap3A_418 = vector.shape_cast %swap3A_417 : vector<1x16xf32> to vector<16xf32>
        %swap3A_419 = vector.shape_cast %add3A_414 : vector<16xf32> to vector<1x16xf32>
        tpu.vector_store %arg9[%swap3A_415, %swap3A_416], %swap3A_419 {strides = array<i32>} : memref<64x256xf32, #tpu.memory_space<vmem>>, vector<1x16xf32>,
        %get3A_420 = arith.index_cast %scan3A_210 : i32 to index
        %get3A_421 = arith.constant 240 : index
        %get3A_422 = tpu.vector_load %arg9[%get3A_420, %get3A_421] {strides = array<i32>} : memref<64x256xf32, #tpu.memory_space<vmem>>, vector<1x16xf32>,
        %get3A_423 = vector.shape_cast %get3A_422 : vector<1x16xf32> to vector<16xf32>
        %get3A_424 = arith.index_cast %scan3A_210 : i32 to index
        %get3A_425 = arith.constant 240 : index
        %get3A_426 = tpu.vector_load %arg10[%get3A_424, %get3A_425] {strides = array<i32>} : memref<64x256xf32, #tpu.memory_space<vmem>>, vector<1x16xf32>,
        %get3A_427 = vector.shape_cast %get3A_426 : vector<1x16xf32> to vector<16xf32>
        %add3A_428 = arith.addf %get3A_423, %get3A_427 : vector<16xf32>
        %swap3A_429 = arith.index_cast %scan3A_210 : i32 to index
        %swap3A_430 = arith.constant 240 : index
        %swap3A_431 = tpu.vector_load %arg9[%swap3A_429, %swap3A_430] {strides = array<i32>} : memref<64x256xf32, #tpu.memory_space<vmem>>, vector<1x16xf32>,
        %swap3A_432 = vector.shape_cast %swap3A_431 : vector<1x16xf32> to vector<16xf32>
        %swap3A_433 = vector.shape_cast %add3A_428 : vector<16xf32> to vector<1x16xf32>
        tpu.vector_store %arg9[%swap3A_429, %swap3A_430], %swap3A_433 {strides = array<i32>} : memref<64x256xf32, #tpu.memory_space<vmem>>, vector<1x16xf32>,
      }
      %scan3A_94 = arith.constant 64 : i32
      %broadcast_in_dim3A_95 = arith.constant 0 : i32
      %broadcast_in_dim3A_96 = vector.broadcast %broadcast_in_dim3A_95 : i32 to vector<16xi32>
      %iota3A_97 = tpu.iota {dimensions = array<i32: 0>} : vector<16xi32>
      %add3A_98 = arith.addi %iota3A_97, %broadcast_in_dim3A_96 : vector<16xi32>
      %shift_right_arithmetic3A_99 = arith.shrsi %add3A_98, %broadcast_in_dim3A_3 : vector<16xi32>
      %and3A_100 = arith.andi %add3A_98, %broadcast_in_dim3A_5 : vector<16xi32>
      %add3A_101 = arith.addi %shift_right_arithmetic3A_99, %and3A_100 : vector<16xi32>
      %swap3A_102 = arith.constant 0 : index
      %swap3A_103 = tpu.vector_load %arg8[%swap3A_102] {strides = array<i32>} : memref<64xi32, #tpu.memory_space<vmem>>, vector<16xi32>,
      %swap3A_104 = vector.shape_cast %swap3A_103 : vector<16xi32> to vector<16xi32>
      %swap3A_105 = vector.shape_cast %add3A_101 : vector<16xi32> to vector<16xi32>
      tpu.vector_store %arg8[%swap3A_102], %swap3A_105 {strides = array<i32>} : memref<64xi32, #tpu.memory_space<vmem>>, vector<16xi32>,
      %broadcast_in_dim3A_106 = arith.constant 16 : i32
      %broadcast_in_dim3A_107 = vector.broadcast %broadcast_in_dim3A_106 : i32 to vector<16xi32>
      %iota3A_108 = tpu.iota {dimensions = array<i32: 0>} : vector<16xi32>
      %add3A_109 = arith.addi %iota3A_108, %broadcast_in_dim3A_107 : vector<16xi32>
      %shift_right_arithmetic3A_110 = arith.shrsi %add3A_109, %broadcast_in_dim3A_3 : vector<16xi32>
      %and3A_111 = arith.andi %add3A_109, %broadcast_in_dim3A_5 : vector<16xi32>
      %add3A_112 = arith.addi %shift_right_arithmetic3A_110, %and3A_111 : vector<16xi32>
      %swap3A_113 = arith.constant 16 : index
      %swap3A_114 = tpu.vector_load %arg8[%swap3A_113] {strides = array<i32>} : memref<64xi32, #tpu.memory_space<vmem>>, vector<16xi32>,
      %swap3A_115 = vector.shape_cast %swap3A_114 : vector<16xi32> to vector<16xi32>
      %swap3A_116 = vector.shape_cast %add3A_112 : vector<16xi32> to vector<16xi32>
      tpu.vector_store %arg8[%swap3A_113], %swap3A_116 {strides = array<i32>} : memref<64xi32, #tpu.memory_space<vmem>>, vector<16xi32>,
      %broadcast_in_dim3A_117 = arith.constant 32 : i32
      %broadcast_in_dim3A_118 = vector.broadcast %broadcast_in_dim3A_117 : i32 to vector<16xi32>
      %iota3A_119 = tpu.iota {dimensions = array<i32: 0>} : vector<16xi32>
      %add3A_120 = arith.addi %iota3A_119, %broadcast_in_dim3A_118 : vector<16xi32>
      %shift_right_arithmetic3A_121 = arith.shrsi %add3A_120, %broadcast_in_dim3A_3 : vector<16xi32>
      %and3A_122 = arith.andi %add3A_120, %broadcast_in_dim3A_5 : vector<16xi32>
      %add3A_123 = arith.addi %shift_right_arithmetic3A_121, %and3A_122 : vector<16xi32>
      %swap3A_124 = arith.constant 32 : index
      %swap3A_125 = tpu.vector_load %arg8[%swap3A_124] {strides = array<i32>} : memref<64xi32, #tpu.memory_space<vmem>>, vector<16xi32>,
      %swap3A_126 = vector.shape_cast %swap3A_125 : vector<16xi32> to vector<16xi32>
      %swap3A_127 = vector.shape_cast %add3A_123 : vector<16xi32> to vector<16xi32>
      tpu.vector_store %arg8[%swap3A_124], %swap3A_127 {strides = array<i32>} : memref<64xi32, #tpu.memory_space<vmem>>, vector<16xi32>,
      %broadcast_in_dim3A_128 = arith.constant 48 : i32
      %broadcast_in_dim3A_129 = vector.broadcast %broadcast_in_dim3A_128 : i32 to vector<16xi32>
      %iota3A_130 = tpu.iota {dimensions = array<i32: 0>} : vector<16xi32>
      %add3A_131 = arith.addi %iota3A_130, %broadcast_in_dim3A_129 : vector<16xi32>
      %shift_right_arithmetic3A_132 = arith.shrsi %add3A_131, %broadcast_in_dim3A_3 : vector<16xi32>
      %and3A_133 = arith.andi %add3A_131, %broadcast_in_dim3A_5 : vector<16xi32>
      %add3A_134 = arith.addi %shift_right_arithmetic3A_132, %and3A_133 : vector<16xi32>
      %swap3A_135 = arith.constant 48 : index
      %swap3A_136 = tpu.vector_load %arg8[%swap3A_135] {strides = array<i32>} : memref<64xi32, #tpu.memory_space<vmem>>, vector<16xi32>,
      %swap3A_137 = vector.shape_cast %swap3A_136 : vector<16xi32> to vector<16xi32>
      %swap3A_138 = vector.shape_cast %add3A_134 : vector<16xi32> to vector<16xi32>
      tpu.vector_store %arg8[%swap3A_135], %swap3A_138 {strides = array<i32>} : memref<64xi32, #tpu.memory_space<vmem>>, vector<16xi32>,
      %dma_start3A_139 = arith.constant 0 : i32
      %dma_start3A_140 = arith.constant 0 : i32
      %dma_start3A_141 = tpu.memref_slice %arg5[%dma_start3A_139, %dma_start3A_140] : memref<15x256xf32, #tpu.memory_space<hbm>> -> memref<15x256xf32, #tpu.memory_space<hbm>>
      tpu.enqueue_indirect_dma source(%dma_start3A_141 : memref<15x256xf32, #tpu.memory_space<hbm>>) target(%arg10 : memref<64x256xf32, #tpu.memory_space<vmem>>) offsets(%arg8 : memref<64xi32, #tpu.memory_space<vmem>>) semaphore(%arg11 : memref<!tpu.dma_semaphore, #tpu.memory_space<semaphore_mem>>)
      %dma_wait3A_142 = arith.constant 0 : i32
      %dma_wait3A_143 = arith.constant 0 : i32
      %dma_wait3A_144 = tpu.memref_slice %arg5[%dma_wait3A_142, %dma_wait3A_143] : memref<15x256xf32, #tpu.memory_space<hbm>> -> memref<15x256xf32, #tpu.memory_space<hbm>>
      tpu.wait_indirect_dma semaphore(%arg11 : memref<!tpu.dma_semaphore, #tpu.memory_space<semaphore_mem>>) src(%dma_wait3A_144 : memref<15x256xf32, #tpu.memory_space<hbm>>) dst(%arg10 : memref<64x256xf32, #tpu.memory_space<vmem>>)
      %scan3A_145 = arith.constant 0 : i32
      %scan3A_146 = arith.constant 0 : i32
      %scan3A_147 = arith.constant 64 : i32
      %scan3A_148 = arith.addi %scan3A_146, %scan3A_147 : i32
      %scan3A_149 = arith.constant 1 : i32
      scf.for %scan3A_210 = %scan3A_146 to %scan3A_148 step %scan3A_149  : i32 {
        %get3A = arith.index_cast %scan3A_210 : i32 to index
        %get3A_211 = arith.constant 0 : index
        %get3A_212 = tpu.vector_load %arg9[%get3A, %get3A_211] {strides = array<i32>} : memref<64x256xf32, #tpu.memory_space<vmem>>, vector<1x16xf32>,
        %get3A_213 = vector.shape_cast %get3A_212 : vector<1x16xf32> to vector<16xf32>
        %get3A_214 = arith.index_cast %scan3A_210 : i32 to index
        %get3A_215 = arith.constant 0 : index
        %get3A_216 = tpu.vector_load %arg10[%get3A_214, %get3A_215] {strides = array<i32>} : memref<64x256xf32, #tpu.memory_space<vmem>>, vector<1x16xf32>,
        %get3A_217 = vector.shape_cast %get3A_216 : vector<1x16xf32> to vector<16xf32>
        %add3A_218 = arith.addf %get3A_213, %get3A_217 : vector<16xf32>
        %swap3A_219 = arith.index_cast %scan3A_210 : i32 to index
        %swap3A_220 = arith.constant 0 : index
        %swap3A_221 = tpu.vector_load %arg9[%swap3A_219, %swap3A_220] {strides = array<i32>} : memref<64x256xf32, #tpu.memory_space<vmem>>, vector<1x16xf32>,
        %swap3A_222 = vector.shape_cast %swap3A_221 : vector<1x16xf32> to vector<16xf32>
        %swap3A_223 = vector.shape_cast %add3A_218 : vector<16xf32> to vector<1x16xf32>
        tpu.vector_store %arg9[%swap3A_219, %swap3A_220], %swap3A_223 {strides = array<i32>} : memref<64x256xf32, #tpu.memory_space<vmem>>, vector<1x16xf32>,
        %get3A_224 = arith.index_cast %scan3A_210 : i32 to index
        %get3A_225 = arith.constant 16 : index
        %get3A_226 = tpu.vector_load %arg9[%get3A_224, %get3A_225] {strides = array<i32>} : memref<64x256xf32, #tpu.memory_space<vmem>>, vector<1x16xf32>,
        %get3A_227 = vector.shape_cast %get3A_226 : vector<1x16xf32> to vector<16xf32>
        %get3A_228 = arith.index_cast %scan3A_210 : i32 to index
        %get3A_229 = arith.constant 16 : index
        %get3A_230 = tpu.vector_load %arg10[%get3A_228, %get3A_229] {strides = array<i32>} : memref<64x256xf32, #tpu.memory_space<vmem>>, vector<1x16xf32>,
        %get3A_231 = vector.shape_cast %get3A_230 : vector<1x16xf32> to vector<16xf32>
        %add3A_232 = arith.addf %get3A_227, %get3A_231 : vector<16xf32>
        %swap3A_233 = arith.index_cast %scan3A_210 : i32 to index
        %swap3A_234 = arith.constant 16 : index
        %swap3A_235 = tpu.vector_load %arg9[%swap3A_233, %swap3A_234] {strides = array<i32>} : memref<64x256xf32, #tpu.memory_space<vmem>>, vector<1x16xf32>,
        %swap3A_236 = vector.shape_cast %swap3A_235 : vector<1x16xf32> to vector<16xf32>
        %swap3A_237 = vector.shape_cast %add3A_232 : vector<16xf32> to vector<1x16xf32>
        tpu.vector_store %arg9[%swap3A_233, %swap3A_234], %swap3A_237 {strides = array<i32>} : memref<64x256xf32, #tpu.memory_space<vmem>>, vector<1x16xf32>,
        %get3A_238 = arith.index_cast %scan3A_210 : i32 to index
        %get3A_239 = arith.constant 32 : index
        %get3A_240 = tpu.vector_load %arg9[%get3A_238, %get3A_239] {strides = array<i32>} : memref<64x256xf32, #tpu.memory_space<vmem>>, vector<1x16xf32>,
        %get3A_241 = vector.shape_cast %get3A_240 : vector<1x16xf32> to vector<16xf32>
        %get3A_242 = arith.index_cast %scan3A_210 : i32 to index
        %get3A_243 = arith.constant 32 : index
        %get3A_244 = tpu.vector_load %arg10[%get3A_242, %get3A_243] {strides = array<i32>} : memref<64x256xf32, #tpu.memory_space<vmem>>, vector<1x16xf32>,
        %get3A_245 = vector.shape_cast %get3A_244 : vector<1x16xf32> to vector<16xf32>
        %add3A_246 = arith.addf %get3A_241, %get3A_245 : vector<16xf32>
        %swap3A_247 = arith.index_cast %scan3A_210 : i32 to index
        %swap3A_248 = arith.constant 32 : index
        %swap3A_249 = tpu.vector_load %arg9[%swap3A_247, %swap3A_248] {strides = array<i32>} : memref<64x256xf32, #tpu.memory_space<vmem>>, vector<1x16xf32>,
        %swap3A_250 = vector.shape_cast %swap3A_249 : vector<1x16xf32> to vector<16xf32>
        %swap3A_251 = vector.shape_cast %add3A_246 : vector<16xf32> to vector<1x16xf32>
        tpu.vector_store %arg9[%swap3A_247, %swap3A_248], %swap3A_251 {strides = array<i32>} : memref<64x256xf32, #tpu.memory_space<vmem>>, vector<1x16xf32>,
        %get3A_252 = arith.index_cast %scan3A_210 : i32 to index
        %get3A_253 = arith.constant 48 : index
        %get3A_254 = tpu.vector_load %arg9[%get3A_252, %get3A_253] {strides = array<i32>} : memref<64x256xf32, #tpu.memory_space<vmem>>, vector<1x16xf32>,
        %get3A_255 = vector.shape_cast %get3A_254 : vector<1x16xf32> to vector<16xf32>
        %get3A_256 = arith.index_cast %scan3A_210 : i32 to index
        %get3A_257 = arith.constant 48 : index
        %get3A_258 = tpu.vector_load %arg10[%get3A_256, %get3A_257] {strides = array<i32>} : memref<64x256xf32, #tpu.memory_space<vmem>>, vector<1x16xf32>,
        %get3A_259 = vector.shape_cast %get3A_258 : vector<1x16xf32> to vector<16xf32>
        %add3A_260 = arith.addf %get3A_255, %get3A_259 : vector<16xf32>
        %swap3A_261 = arith.index_cast %scan3A_210 : i32 to index
        %swap3A_262 = arith.constant 48 : index
        %swap3A_263 = tpu.vector_load %arg9[%swap3A_261, %swap3A_262] {strides = array<i32>} : memref<64x256xf32, #tpu.memory_space<vmem>>, vector<1x16xf32>,
        %swap3A_264 = vector.shape_cast %swap3A_263 : vector<1x16xf32> to vector<16xf32>
        %swap3A_265 = vector.shape_cast %add3A_260 : vector<16xf32> to vector<1x16xf32>
        tpu.vector_store %arg9[%swap3A_261, %swap3A_262], %swap3A_265 {strides = array<i32>} : memref<64x256xf32, #tpu.memory_space<vmem>>, vector<1x16xf32>,
        %get3A_266 = arith.index_cast %scan3A_210 : i32 to index
        %get3A_267 = arith.constant 64 : index
        %get3A_268 = tpu.vector_load %arg9[%get3A_266, %get3A_267] {strides = array<i32>} : memref<64x256xf32, #tpu.memory_space<vmem>>, vector<1x16xf32>,
        %get3A_269 = vector.shape_cast %get3A_268 : vector<1x16xf32> to vector<16xf32>
        %get3A_270 = arith.index_cast %scan3A_210 : i32 to index
        %get3A_271 = arith.constant 64 : index
        %get3A_272 = tpu.vector_load %arg10[%get3A_270, %get3A_271] {strides = array<i32>} : memref<64x256xf32, #tpu.memory_space<vmem>>, vector<1x16xf32>,
        %get3A_273 = vector.shape_cast %get3A_272 : vector<1x16xf32> to vector<16xf32>
        %add3A_274 = arith.addf %get3A_269, %get3A_273 : vector<16xf32>
        %swap3A_275 = arith.index_cast %scan3A_210 : i32 to index
        %swap3A_276 = arith.constant 64 : index
        %swap3A_277 = tpu.vector_load %arg9[%swap3A_275, %swap3A_276] {strides = array<i32>} : memref<64x256xf32, #tpu.memory_space<vmem>>, vector<1x16xf32>,
        %swap3A_278 = vector.shape_cast %swap3A_277 : vector<1x16xf32> to vector<16xf32>
        %swap3A_279 = vector.shape_cast %add3A_274 : vector<16xf32> to vector<1x16xf32>
        tpu.vector_store %arg9[%swap3A_275, %swap3A_276], %swap3A_279 {strides = array<i32>} : memref<64x256xf32, #tpu.memory_space<vmem>>, vector<1x16xf32>,
        %get3A_280 = arith.index_cast %scan3A_210 : i32 to index
        %get3A_281 = arith.constant 80 : index
        %get3A_282 = tpu.vector_load %arg9[%get3A_280, %get3A_281] {strides = array<i32>} : memref<64x256xf32, #tpu.memory_space<vmem>>, vector<1x16xf32>,
        %get3A_283 = vector.shape_cast %get3A_282 : vector<1x16xf32> to vector<16xf32>
        %get3A_284 = arith.index_cast %scan3A_210 : i32 to index
        %get3A_285 = arith.constant 80 : index
        %get3A_286 = tpu.vector_load %arg10[%get3A_284, %get3A_285] {strides = array<i32>} : memref<64x256xf32, #tpu.memory_space<vmem>>, vector<1x16xf32>,
        %get3A_287 = vector.shape_cast %get3A_286 : vector<1x16xf32> to vector<16xf32>
        %add3A_288 = arith.addf %get3A_283, %get3A_287 : vector<16xf32>
        %swap3A_289 = arith.index_cast %scan3A_210 : i32 to index
        %swap3A_290 = arith.constant 80 : index
        %swap3A_291 = tpu.vector_load %arg9[%swap3A_289, %swap3A_290] {strides = array<i32>} : memref<64x256xf32, #tpu.memory_space<vmem>>, vector<1x16xf32>,
        %swap3A_292 = vector.shape_cast %swap3A_291 : vector<1x16xf32> to vector<16xf32>
        %swap3A_293 = vector.shape_cast %add3A_288 : vector<16xf32> to vector<1x16xf32>
        tpu.vector_store %arg9[%swap3A_289, %swap3A_290], %swap3A_293 {strides = array<i32>} : memref<64x256xf32, #tpu.memory_space<vmem>>, vector<1x16xf32>,
        %get3A_294 = arith.index_cast %scan3A_210 : i32 to index
        %get3A_295 = arith.constant 96 : index
        %get3A_296 = tpu.vector_load %arg9[%get3A_294, %get3A_295] {strides = array<i32>} : memref<64x256xf32, #tpu.memory_space<vmem>>, vector<1x16xf32>,
        %get3A_297 = vector.shape_cast %get3A_296 : vector<1x16xf32> to vector<16xf32>
        %get3A_298 = arith.index_cast %scan3A_210 : i32 to index
        %get3A_299 = arith.constant 96 : index
        %get3A_300 = tpu.vector_load %arg10[%get3A_298, %get3A_299] {strides = array<i32>} : memref<64x256xf32, #tpu.memory_space<vmem>>, vector<1x16xf32>,
        %get3A_301 = vector.shape_cast %get3A_300 : vector<1x16xf32> to vector<16xf32>
        %add3A_302 = arith.addf %get3A_297, %get3A_301 : vector<16xf32>
        %swap3A_303 = arith.index_cast %scan3A_210 : i32 to index
        %swap3A_304 = arith.constant 96 : index
        %swap3A_305 = tpu.vector_load %arg9[%swap3A_303, %swap3A_304] {strides = array<i32>} : memref<64x256xf32, #tpu.memory_space<vmem>>, vector<1x16xf32>,
        %swap3A_306 = vector.shape_cast %swap3A_305 : vector<1x16xf32> to vector<16xf32>
        %swap3A_307 = vector.shape_cast %add3A_302 : vector<16xf32> to vector<1x16xf32>
        tpu.vector_store %arg9[%swap3A_303, %swap3A_304], %swap3A_307 {strides = array<i32>} : memref<64x256xf32, #tpu.memory_space<vmem>>, vector<1x16xf32>,
        %get3A_308 = arith.index_cast %scan3A_210 : i32 to index
        %get3A_309 = arith.constant 112 : index
        %get3A_310 = tpu.vector_load %arg9[%get3A_308, %get3A_309] {strides = array<i32>} : memref<64x256xf32, #tpu.memory_space<vmem>>, vector<1x16xf32>,
        %get3A_311 = vector.shape_cast %get3A_310 : vector<1x16xf32> to vector<16xf32>
        %get3A_312 = arith.index_cast %scan3A_210 : i32 to index
        %get3A_313 = arith.constant 112 : index
        %get3A_314 = tpu.vector_load %arg10[%get3A_312, %get3A_313] {strides = array<i32>} : memref<64x256xf32, #tpu.memory_space<vmem>>, vector<1x16xf32>,
        %get3A_315 = vector.shape_cast %get3A_314 : vector<1x16xf32> to vector<16xf32>
        %add3A_316 = arith.addf %get3A_311, %get3A_315 : vector<16xf32>
        %swap3A_317 = arith.index_cast %scan3A_210 : i32 to index
        %swap3A_318 = arith.constant 112 : index
        %swap3A_319 = tpu.vector_load %arg9[%swap3A_317, %swap3A_318] {strides = array<i32>} : memref<64x256xf32, #tpu.memory_space<vmem>>, vector<1x16xf32>,
        %swap3A_320 = vector.shape_cast %swap3A_319 : vector<1x16xf32> to vector<16xf32>
        %swap3A_321 = vector.shape_cast %add3A_316 : vector<16xf32> to vector<1x16xf32>
        tpu.vector_store %arg9[%swap3A_317, %swap3A_318], %swap3A_321 {strides = array<i32>} : memref<64x256xf32, #tpu.memory_space<vmem>>, vector<1x16xf32>,
        %get3A_322 = arith.index_cast %scan3A_210 : i32 to index
        %get3A_323 = arith.constant 128 : index
        %get3A_324 = tpu.vector_load %arg9[%get3A_322, %get3A_323] {strides = array<i32>} : memref<64x256xf32, #tpu.memory_space<vmem>>, vector<1x16xf32>,
        %get3A_325 = vector.shape_cast %get3A_324 : vector<1x16xf32> to vector<16xf32>
        %get3A_326 = arith.index_cast %scan3A_210 : i32 to index
        %get3A_327 = arith.constant 128 : index
        %get3A_328 = tpu.vector_load %arg10[%get3A_326, %get3A_327] {strides = array<i32>} : memref<64x256xf32, #tpu.memory_space<vmem>>, vector<1x16xf32>,
        %get3A_329 = vector.shape_cast %get3A_328 : vector<1x16xf32> to vector<16xf32>
        %add3A_330 = arith.addf %get3A_325, %get3A_329 : vector<16xf32>
        %swap3A_331 = arith.index_cast %scan3A_210 : i32 to index
        %swap3A_332 = arith.constant 128 : index
        %swap3A_333 = tpu.vector_load %arg9[%swap3A_331, %swap3A_332] {strides = array<i32>} : memref<64x256xf32, #tpu.memory_space<vmem>>, vector<1x16xf32>,
        %swap3A_334 = vector.shape_cast %swap3A_333 : vector<1x16xf32> to vector<16xf32>
        %swap3A_335 = vector.shape_cast %add3A_330 : vector<16xf32> to vector<1x16xf32>
        tpu.vector_store %arg9[%swap3A_331, %swap3A_332], %swap3A_335 {strides = array<i32>} : memref<64x256xf32, #tpu.memory_space<vmem>>, vector<1x16xf32>,
        %get3A_336 = arith.index_cast %scan3A_210 : i32 to index
        %get3A_337 = arith.constant 144 : index
        %get3A_338 = tpu.vector_load %arg9[%get3A_336, %get3A_337] {strides = array<i32>} : memref<64x256xf32, #tpu.memory_space<vmem>>, vector<1x16xf32>,
        %get3A_339 = vector.shape_cast %get3A_338 : vector<1x16xf32> to vector<16xf32>
        %get3A_340 = arith.index_cast %scan3A_210 : i32 to index
        %get3A_341 = arith.constant 144 : index
        %get3A_342 = tpu.vector_load %arg10[%get3A_340, %get3A_341] {strides = array<i32>} : memref<64x256xf32, #tpu.memory_space<vmem>>, vector<1x16xf32>,
        %get3A_343 = vector.shape_cast %get3A_342 : vector<1x16xf32> to vector<16xf32>
        %add3A_344 = arith.addf %get3A_339, %get3A_343 : vector<16xf32>
        %swap3A_345 = arith.index_cast %scan3A_210 : i32 to index
        %swap3A_346 = arith.constant 144 : index
        %swap3A_347 = tpu.vector_load %arg9[%swap3A_345, %swap3A_346] {strides = array<i32>} : memref<64x256xf32, #tpu.memory_space<vmem>>, vector<1x16xf32>,
        %swap3A_348 = vector.shape_cast %swap3A_347 : vector<1x16xf32> to vector<16xf32>
        %swap3A_349 = vector.shape_cast %add3A_344 : vector<16xf32> to vector<1x16xf32>
        tpu.vector_store %arg9[%swap3A_345, %swap3A_346], %swap3A_349 {strides = array<i32>} : memref<64x256xf32, #tpu.memory_space<vmem>>, vector<1x16xf32>,
        %get3A_350 = arith.index_cast %scan3A_210 : i32 to index
        %get3A_351 = arith.constant 160 : index
        %get3A_352 = tpu.vector_load %arg9[%get3A_350, %get3A_351] {strides = array<i32>} : memref<64x256xf32, #tpu.memory_space<vmem>>, vector<1x16xf32>,
        %get3A_353 = vector.shape_cast %get3A_352 : vector<1x16xf32> to vector<16xf32>
        %get3A_354 = arith.index_cast %scan3A_210 : i32 to index
        %get3A_355 = arith.constant 160 : index
        %get3A_356 = tpu.vector_load %arg10[%get3A_354, %get3A_355] {strides = array<i32>} : memref<64x256xf32, #tpu.memory_space<vmem>>, vector<1x16xf32>,
        %get3A_357 = vector.shape_cast %get3A_356 : vector<1x16xf32> to vector<16xf32>
        %add3A_358 = arith.addf %get3A_353, %get3A_357 : vector<16xf32>
        %swap3A_359 = arith.index_cast %scan3A_210 : i32 to index
        %swap3A_360 = arith.constant 160 : index
        %swap3A_361 = tpu.vector_load %arg9[%swap3A_359, %swap3A_360] {strides = array<i32>} : memref<64x256xf32, #tpu.memory_space<vmem>>, vector<1x16xf32>,
        %swap3A_362 = vector.shape_cast %swap3A_361 : vector<1x16xf32> to vector<16xf32>
        %swap3A_363 = vector.shape_cast %add3A_358 : vector<16xf32> to vector<1x16xf32>
        tpu.vector_store %arg9[%swap3A_359, %swap3A_360], %swap3A_363 {strides = array<i32>} : memref<64x256xf32, #tpu.memory_space<vmem>>, vector<1x16xf32>,
        %get3A_364 = arith.index_cast %scan3A_210 : i32 to index
        %get3A_365 = arith.constant 176 : index
        %get3A_366 = tpu.vector_load %arg9[%get3A_364, %get3A_365] {strides = array<i32>} : memref<64x256xf32, #tpu.memory_space<vmem>>, vector<1x16xf32>,
        %get3A_367 = vector.shape_cast %get3A_366 : vector<1x16xf32> to vector<16xf32>
        %get3A_368 = arith.index_cast %scan3A_210 : i32 to index
        %get3A_369 = arith.constant 176 : index
        %get3A_370 = tpu.vector_load %arg10[%get3A_368, %get3A_369] {strides = array<i32>} : memref<64x256xf32, #tpu.memory_space<vmem>>, vector<1x16xf32>,
        %get3A_371 = vector.shape_cast %get3A_370 : vector<1x16xf32> to vector<16xf32>
        %add3A_372 = arith.addf %get3A_367, %get3A_371 : vector<16xf32>
        %swap3A_373 = arith.index_cast %scan3A_210 : i32 to index
        %swap3A_374 = arith.constant 176 : index
        %swap3A_375 = tpu.vector_load %arg9[%swap3A_373, %swap3A_374] {strides = array<i32>} : memref<64x256xf32, #tpu.memory_space<vmem>>, vector<1x16xf32>,
        %swap3A_376 = vector.shape_cast %swap3A_375 : vector<1x16xf32> to vector<16xf32>
        %swap3A_377 = vector.shape_cast %add3A_372 : vector<16xf32> to vector<1x16xf32>
        tpu.vector_store %arg9[%swap3A_373, %swap3A_374], %swap3A_377 {strides = array<i32>} : memref<64x256xf32, #tpu.memory_space<vmem>>, vector<1x16xf32>,
        %get3A_378 = arith.index_cast %scan3A_210 : i32 to index
        %get3A_379 = arith.constant 192 : index
        %get3A_380 = tpu.vector_load %arg9[%get3A_378, %get3A_379] {strides = array<i32>} : memref<64x256xf32, #tpu.memory_space<vmem>>, vector<1x16xf32>,
        %get3A_381 = vector.shape_cast %get3A_380 : vector<1x16xf32> to vector<16xf32>
        %get3A_382 = arith.index_cast %scan3A_210 : i32 to index
        %get3A_383 = arith.constant 192 : index
        %get3A_384 = tpu.vector_load %arg10[%get3A_382, %get3A_383] {strides = array<i32>} : memref<64x256xf32, #tpu.memory_space<vmem>>, vector<1x16xf32>,
        %get3A_385 = vector.shape_cast %get3A_384 : vector<1x16xf32> to vector<16xf32>
        %add3A_386 = arith.addf %get3A_381, %get3A_385 : vector<16xf32>
        %swap3A_387 = arith.index_cast %scan3A_210 : i32 to index
        %swap3A_388 = arith.constant 192 : index
        %swap3A_389 = tpu.vector_load %arg9[%swap3A_387, %swap3A_388] {strides = array<i32>} : memref<64x256xf32, #tpu.memory_space<vmem>>, vector<1x16xf32>,
        %swap3A_390 = vector.shape_cast %swap3A_389 : vector<1x16xf32> to vector<16xf32>
        %swap3A_391 = vector.shape_cast %add3A_386 : vector<16xf32> to vector<1x16xf32>
        tpu.vector_store %arg9[%swap3A_387, %swap3A_388], %swap3A_391 {strides = array<i32>} : memref<64x256xf32, #tpu.memory_space<vmem>>, vector<1x16xf32>,
        %get3A_392 = arith.index_cast %scan3A_210 : i32 to index
        %get3A_393 = arith.constant 208 : index
        %get3A_394 = tpu.vector_load %arg9[%get3A_392, %get3A_393] {strides = array<i32>} : memref<64x256xf32, #tpu.memory_space<vmem>>, vector<1x16xf32>,
        %get3A_395 = vector.shape_cast %get3A_394 : vector<1x16xf32> to vector<16xf32>
        %get3A_396 = arith.index_cast %scan3A_210 : i32 to index
        %get3A_397 = arith.constant 208 : index
        %get3A_398 = tpu.vector_load %arg10[%get3A_396, %get3A_397] {strides = array<i32>} : memref<64x256xf32, #tpu.memory_space<vmem>>, vector<1x16xf32>,
        %get3A_399 = vector.shape_cast %get3A_398 : vector<1x16xf32> to vector<16xf32>
        %add3A_400 = arith.addf %get3A_395, %get3A_399 : vector<16xf32>
        %swap3A_401 = arith.index_cast %scan3A_210 : i32 to index
        %swap3A_402 = arith.constant 208 : index
        %swap3A_403 = tpu.vector_load %arg9[%swap3A_401, %swap3A_402] {strides = array<i32>} : memref<64x256xf32, #tpu.memory_space<vmem>>, vector<1x16xf32>,
        %swap3A_404 = vector.shape_cast %swap3A_403 : vector<1x16xf32> to vector<16xf32>
        %swap3A_405 = vector.shape_cast %add3A_400 : vector<16xf32> to vector<1x16xf32>
        tpu.vector_store %arg9[%swap3A_401, %swap3A_402], %swap3A_405 {strides = array<i32>} : memref<64x256xf32, #tpu.memory_space<vmem>>, vector<1x16xf32>,
        %get3A_406 = arith.index_cast %scan3A_210 : i32 to index
        %get3A_407 = arith.constant 224 : index
        %get3A_408 = tpu.vector_load %arg9[%get3A_406, %get3A_407] {strides = array<i32>} : memref<64x256xf32, #tpu.memory_space<vmem>>, vector<1x16xf32>,
        %get3A_409 = vector.shape_cast %get3A_408 : vector<1x16xf32> to vector<16xf32>
        %get3A_410 = arith.index_cast %scan3A_210 : i32 to index
        %get3A_411 = arith.constant 224 : index
        %get3A_412 = tpu.vector_load %arg10[%get3A_410, %get3A_411] {strides = array<i32>} : memref<64x256xf32, #tpu.memory_space<vmem>>, vector<1x16xf32>,
        %get3A_413 = vector.shape_cast %get3A_412 : vector<1x16xf32> to vector<16xf32>
        %add3A_414 = arith.addf %get3A_409, %get3A_413 : vector<16xf32>
        %swap3A_415 = arith.index_cast %scan3A_210 : i32 to index
        %swap3A_416 = arith.constant 224 : index
        %swap3A_417 = tpu.vector_load %arg9[%swap3A_415, %swap3A_416] {strides = array<i32>} : memref<64x256xf32, #tpu.memory_space<vmem>>, vector<1x16xf32>,
        %swap3A_418 = vector.shape_cast %swap3A_417 : vector<1x16xf32> to vector<16xf32>
        %swap3A_419 = vector.shape_cast %add3A_414 : vector<16xf32> to vector<1x16xf32>
        tpu.vector_store %arg9[%swap3A_415, %swap3A_416], %swap3A_419 {strides = array<i32>} : memref<64x256xf32, #tpu.memory_space<vmem>>, vector<1x16xf32>,
        %get3A_420 = arith.index_cast %scan3A_210 : i32 to index
        %get3A_421 = arith.constant 240 : index
        %get3A_422 = tpu.vector_load %arg9[%get3A_420, %get3A_421] {strides = array<i32>} : memref<64x256xf32, #tpu.memory_space<vmem>>, vector<1x16xf32>,
        %get3A_423 = vector.shape_cast %get3A_422 : vector<1x16xf32> to vector<16xf32>
        %get3A_424 = arith.index_cast %scan3A_210 : i32 to index
        %get3A_425 = arith.constant 240 : index
        %get3A_426 = tpu.vector_load %arg10[%get3A_424, %get3A_425] {strides = array<i32>} : memref<64x256xf32, #tpu.memory_space<vmem>>, vector<1x16xf32>,
        %get3A_427 = vector.shape_cast %get3A_426 : vector<1x16xf32> to vector<16xf32>
        %add3A_428 = arith.addf %get3A_423, %get3A_427 : vector<16xf32>
        %swap3A_429 = arith.index_cast %scan3A_210 : i32 to index
        %swap3A_430 = arith.constant 240 : index
        %swap3A_431 = tpu.vector_load %arg9[%swap3A_429, %swap3A_430] {strides = array<i32>} : memref<64x256xf32, #tpu.memory_space<vmem>>, vector<1x16xf32>,
        %swap3A_432 = vector.shape_cast %swap3A_431 : vector<1x16xf32> to vector<16xf32>
        %swap3A_433 = vector.shape_cast %add3A_428 : vector<16xf32> to vector<1x16xf32>
        tpu.vector_store %arg9[%swap3A_429, %swap3A_430], %swap3A_433 {strides = array<i32>} : memref<64x256xf32, #tpu.memory_space<vmem>>, vector<1x16xf32>,
      }
      %scan3A_150 = arith.constant 64 : i32
      %broadcast_in_dim3A_151 = arith.constant 0 : i32
      %broadcast_in_dim3A_152 = vector.broadcast %broadcast_in_dim3A_151 : i32 to vector<16xi32>
      %iota3A_153 = tpu.iota {dimensions = array<i32: 0>} : vector<16xi32>
      %add3A_154 = arith.addi %iota3A_153, %broadcast_in_dim3A_152 : vector<16xi32>
      %shift_right_arithmetic3A_155 = arith.shrsi %add3A_154, %broadcast_in_dim3A_3 : vector<16xi32>
      %and3A_156 = arith.andi %add3A_154, %broadcast_in_dim3A_5 : vector<16xi32>
      %sub3A = arith.subi %shift_right_arithmetic3A_155, %and3A_156 : vector<16xi32>
      %add3A_157 = arith.addi %sub3A, %broadcast_in_dim3A_5 : vector<16xi32>
      %swap3A_158 = arith.constant 0 : index
      %swap3A_159 = tpu.vector_load %arg8[%swap3A_158] {strides = array<i32>} : memref<64xi32, #tpu.memory_space<vmem>>, vector<16xi32>,
      %swap3A_160 = vector.shape_cast %swap3A_159 : vector<16xi32> to vector<16xi32>
      %swap3A_161 = vector.shape_cast %add3A_157 : vector<16xi32> to vector<16xi32>
      tpu.vector_store %arg8[%swap3A_158], %swap3A_161 {strides = array<i32>} : memref<64xi32, #tpu.memory_space<vmem>>, vector<16xi32>,
      %broadcast_in_dim3A_162 = arith.constant 16 : i32
      %broadcast_in_dim3A_163 = vector.broadcast %broadcast_in_dim3A_162 : i32 to vector<16xi32>
      %iota3A_164 = tpu.iota {dimensions = array<i32: 0>} : vector<16xi32>
      %add3A_165 = arith.addi %iota3A_164, %broadcast_in_dim3A_163 : vector<16xi32>
      %shift_right_arithmetic3A_166 = arith.shrsi %add3A_165, %broadcast_in_dim3A_3 : vector<16xi32>
      %and3A_167 = arith.andi %add3A_165, %broadcast_in_dim3A_5 : vector<16xi32>
      %sub3A_168 = arith.subi %shift_right_arithmetic3A_166, %and3A_167 : vector<16xi32>
      %add3A_169 = arith.addi %sub3A_168, %broadcast_in_dim3A_5 : vector<16xi32>
      %swap3A_170 = arith.constant 16 : index
      %swap3A_171 = tpu.vector_load %arg8[%swap3A_170] {strides = array<i32>} : memref<64xi32, #tpu.memory_space<vmem>>, vector<16xi32>,
      %swap3A_172 = vector.shape_cast %swap3A_171 : vector<16xi32> to vector<16xi32>
      %swap3A_173 = vector.shape_cast %add3A_169 : vector<16xi32> to vector<16xi32>
      tpu.vector_store %arg8[%swap3A_170], %swap3A_173 {strides = array<i32>} : memref<64xi32, #tpu.memory_space<vmem>>, vector<16xi32>,
      %broadcast_in_dim3A_174 = arith.constant 32 : i32
      %broadcast_in_dim3A_175 = vector.broadcast %broadcast_in_dim3A_174 : i32 to vector<16xi32>
      %iota3A_176 = tpu.iota {dimensions = array<i32: 0>} : vector<16xi32>
      %add3A_177 = arith.addi %iota3A_176, %broadcast_in_dim3A_175 : vector<16xi32>
      %shift_right_arithmetic3A_178 = arith.shrsi %add3A_177, %broadcast_in_dim3A_3 : vector<16xi32>
      %and3A_179 = arith.andi %add3A_177, %broadcast_in_dim3A_5 : vector<16xi32>
      %sub3A_180 = arith.subi %shift_right_arithmetic3A_178, %and3A_179 : vector<16xi32>
      %add3A_181 = arith.addi %sub3A_180, %broadcast_in_dim3A_5 : vector<16xi32>
      %swap3A_182 = arith.constant 32 : index
      %swap3A_183 = tpu.vector_load %arg8[%swap3A_182] {strides = array<i32>} : memref<64xi32, #tpu.memory_space<vmem>>, vector<16xi32>,
      %swap3A_184 = vector.shape_cast %swap3A_183 : vector<16xi32> to vector<16xi32>
      %swap3A_185 = vector.shape_cast %add3A_181 : vector<16xi32> to vector<16xi32>
      tpu.vector_store %arg8[%swap3A_182], %swap3A_185 {strides = array<i32>} : memref<64xi32, #tpu.memory_space<vmem>>, vector<16xi32>,
      %broadcast_in_dim3A_186 = arith.constant 48 : i32
      %broadcast_in_dim3A_187 = vector.broadcast %broadcast_in_dim3A_186 : i32 to vector<16xi32>
      %iota3A_188 = tpu.iota {dimensions = array<i32: 0>} : vector<16xi32>
      %add3A_189 = arith.addi %iota3A_188, %broadcast_in_dim3A_187 : vector<16xi32>
      %shift_right_arithmetic3A_190 = arith.shrsi %add3A_189, %broadcast_in_dim3A_3 : vector<16xi32>
      %and3A_191 = arith.andi %add3A_189, %broadcast_in_dim3A_5 : vector<16xi32>
      %sub3A_192 = arith.subi %shift_right_arithmetic3A_190, %and3A_191 : vector<16xi32>
      %add3A_193 = arith.addi %sub3A_192, %broadcast_in_dim3A_5 : vector<16xi32>
      %swap3A_194 = arith.constant 48 : index
      %swap3A_195 = tpu.vector_load %arg8[%swap3A_194] {strides = array<i32>} : memref<64xi32, #tpu.memory_space<vmem>>, vector<16xi32>,
      %swap3A_196 = vector.shape_cast %swap3A_195 : vector<16xi32> to vector<16xi32>
      %swap3A_197 = vector.shape_cast %add3A_193 : vector<16xi32> to vector<16xi32>
      tpu.vector_store %arg8[%swap3A_194], %swap3A_197 {strides = array<i32>} : memref<64xi32, #tpu.memory_space<vmem>>, vector<16xi32>,
      %dma_start3A_198 = arith.constant 0 : i32
      %dma_start3A_199 = arith.constant 0 : i32
      %dma_start3A_200 = tpu.memref_slice %arg6[%dma_start3A_198, %dma_start3A_199] : memref<15x256xf32, #tpu.memory_space<hbm>> -> memref<15x256xf32, #tpu.memory_space<hbm>>
      tpu.enqueue_indirect_dma source(%dma_start3A_200 : memref<15x256xf32, #tpu.memory_space<hbm>>) target(%arg10 : memref<64x256xf32, #tpu.memory_space<vmem>>) offsets(%arg8 : memref<64xi32, #tpu.memory_space<vmem>>) semaphore(%arg11 : memref<!tpu.dma_semaphore, #tpu.memory_space<semaphore_mem>>)
      %dma_wait3A_201 = arith.constant 0 : i32
      %dma_wait3A_202 = arith.constant 0 : i32
      %dma_wait3A_203 = tpu.memref_slice %arg6[%dma_wait3A_201, %dma_wait3A_202] : memref<15x256xf32, #tpu.memory_space<hbm>> -> memref<15x256xf32, #tpu.memory_space<hbm>>
      tpu.wait_indirect_dma semaphore(%arg11 : memref<!tpu.dma_semaphore, #tpu.memory_space<semaphore_mem>>) src(%dma_wait3A_203 : memref<15x256xf32, #tpu.memory_space<hbm>>) dst(%arg10 : memref<64x256xf32, #tpu.memory_space<vmem>>)
      %scan3A_204 = arith.constant 0 : i32
      %scan3A_205 = arith.constant 0 : i32
      %scan3A_206 = arith.constant 64 : i32
      %scan3A_207 = arith.addi %scan3A_205, %scan3A_206 : i32
      %scan3A_208 = arith.constant 1 : i32
      scf.for %scan3A_210 = %scan3A_205 to %scan3A_207 step %scan3A_208  : i32 {
        %get3A = arith.index_cast %scan3A_210 : i32 to index
        %get3A_211 = arith.constant 0 : index
        %get3A_212 = tpu.vector_load %arg9[%get3A, %get3A_211] {strides = array<i32>} : memref<64x256xf32, #tpu.memory_space<vmem>>, vector<1x16xf32>,
        %get3A_213 = vector.shape_cast %get3A_212 : vector<1x16xf32> to vector<16xf32>
        %get3A_214 = arith.index_cast %scan3A_210 : i32 to index
        %get3A_215 = arith.constant 0 : index
        %get3A_216 = tpu.vector_load %arg10[%get3A_214, %get3A_215] {strides = array<i32>} : memref<64x256xf32, #tpu.memory_space<vmem>>, vector<1x16xf32>,
        %get3A_217 = vector.shape_cast %get3A_216 : vector<1x16xf32> to vector<16xf32>
        %add3A_218 = arith.addf %get3A_213, %get3A_217 : vector<16xf32>
        %swap3A_219 = arith.index_cast %scan3A_210 : i32 to index
        %swap3A_220 = arith.constant 0 : index
        %swap3A_221 = tpu.vector_load %arg9[%swap3A_219, %swap3A_220] {strides = array<i32>} : memref<64x256xf32, #tpu.memory_space<vmem>>, vector<1x16xf32>,
        %swap3A_222 = vector.shape_cast %swap3A_221 : vector<1x16xf32> to vector<16xf32>
        %swap3A_223 = vector.shape_cast %add3A_218 : vector<16xf32> to vector<1x16xf32>
        tpu.vector_store %arg9[%swap3A_219, %swap3A_220], %swap3A_223 {strides = array<i32>} : memref<64x256xf32, #tpu.memory_space<vmem>>, vector<1x16xf32>,
        %get3A_224 = arith.index_cast %scan3A_210 : i32 to index
        %get3A_225 = arith.constant 16 : index
        %get3A_226 = tpu.vector_load %arg9[%get3A_224, %get3A_225] {strides = array<i32>} : memref<64x256xf32, #tpu.memory_space<vmem>>, vector<1x16xf32>,
        %get3A_227 = vector.shape_cast %get3A_226 : vector<1x16xf32> to vector<16xf32>
        %get3A_228 = arith.index_cast %scan3A_210 : i32 to index
        %get3A_229 = arith.constant 16 : index
        %get3A_230 = tpu.vector_load %arg10[%get3A_228, %get3A_229] {strides = array<i32>} : memref<64x256xf32, #tpu.memory_space<vmem>>, vector<1x16xf32>,
        %get3A_231 = vector.shape_cast %get3A_230 : vector<1x16xf32> to vector<16xf32>
        %add3A_232 = arith.addf %get3A_227, %get3A_231 : vector<16xf32>
        %swap3A_233 = arith.index_cast %scan3A_210 : i32 to index
        %swap3A_234 = arith.constant 16 : index
        %swap3A_235 = tpu.vector_load %arg9[%swap3A_233, %swap3A_234] {strides = array<i32>} : memref<64x256xf32, #tpu.memory_space<vmem>>, vector<1x16xf32>,
        %swap3A_236 = vector.shape_cast %swap3A_235 : vector<1x16xf32> to vector<16xf32>
        %swap3A_237 = vector.shape_cast %add3A_232 : vector<16xf32> to vector<1x16xf32>
        tpu.vector_store %arg9[%swap3A_233, %swap3A_234], %swap3A_237 {strides = array<i32>} : memref<64x256xf32, #tpu.memory_space<vmem>>, vector<1x16xf32>,
        %get3A_238 = arith.index_cast %scan3A_210 : i32 to index
        %get3A_239 = arith.constant 32 : index
        %get3A_240 = tpu.vector_load %arg9[%get3A_238, %get3A_239] {strides = array<i32>} : memref<64x256xf32, #tpu.memory_space<vmem>>, vector<1x16xf32>,
        %get3A_241 = vector.shape_cast %get3A_240 : vector<1x16xf32> to vector<16xf32>
        %get3A_242 = arith.index_cast %scan3A_210 : i32 to index
        %get3A_243 = arith.constant 32 : index
        %get3A_244 = tpu.vector_load %arg10[%get3A_242, %get3A_243] {strides = array<i32>} : memref<64x256xf32, #tpu.memory_space<vmem>>, vector<1x16xf32>,
        %get3A_245 = vector.shape_cast %get3A_244 : vector<1x16xf32> to vector<16xf32>
        %add3A_246 = arith.addf %get3A_241, %get3A_245 : vector<16xf32>
        %swap3A_247 = arith.index_cast %scan3A_210 : i32 to index
        %swap3A_248 = arith.constant 32 : index
        %swap3A_249 = tpu.vector_load %arg9[%swap3A_247, %swap3A_248] {strides = array<i32>} : memref<64x256xf32, #tpu.memory_space<vmem>>, vector<1x16xf32>,
        %swap3A_250 = vector.shape_cast %swap3A_249 : vector<1x16xf32> to vector<16xf32>
        %swap3A_251 = vector.shape_cast %add3A_246 : vector<16xf32> to vector<1x16xf32>
        tpu.vector_store %arg9[%swap3A_247, %swap3A_248], %swap3A_251 {strides = array<i32>} : memref<64x256xf32, #tpu.memory_space<vmem>>, vector<1x16xf32>,
        %get3A_252 = arith.index_cast %scan3A_210 : i32 to index
        %get3A_253 = arith.constant 48 : index
        %get3A_254 = tpu.vector_load %arg9[%get3A_252, %get3A_253] {strides = array<i32>} : memref<64x256xf32, #tpu.memory_space<vmem>>, vector<1x16xf32>,
        %get3A_255 = vector.shape_cast %get3A_254 : vector<1x16xf32> to vector<16xf32>
        %get3A_256 = arith.index_cast %scan3A_210 : i32 to index
        %get3A_257 = arith.constant 48 : index
        %get3A_258 = tpu.vector_load %arg10[%get3A_256, %get3A_257] {strides = array<i32>} : memref<64x256xf32, #tpu.memory_space<vmem>>, vector<1x16xf32>,
        %get3A_259 = vector.shape_cast %get3A_258 : vector<1x16xf32> to vector<16xf32>
        %add3A_260 = arith.addf %get3A_255, %get3A_259 : vector<16xf32>
        %swap3A_261 = arith.index_cast %scan3A_210 : i32 to index
        %swap3A_262 = arith.constant 48 : index
        %swap3A_263 = tpu.vector_load %arg9[%swap3A_261, %swap3A_262] {strides = array<i32>} : memref<64x256xf32, #tpu.memory_space<vmem>>, vector<1x16xf32>,
        %swap3A_264 = vector.shape_cast %swap3A_263 : vector<1x16xf32> to vector<16xf32>
        %swap3A_265 = vector.shape_cast %add3A_260 : vector<16xf32> to vector<1x16xf32>
        tpu.vector_store %arg9[%swap3A_261, %swap3A_262], %swap3A_265 {strides = array<i32>} : memref<64x256xf32, #tpu.memory_space<vmem>>, vector<1x16xf32>,
        %get3A_266 = arith.index_cast %scan3A_210 : i32 to index
        %get3A_267 = arith.constant 64 : index
        %get3A_268 = tpu.vector_load %arg9[%get3A_266, %get3A_267] {strides = array<i32>} : memref<64x256xf32, #tpu.memory_space<vmem>>, vector<1x16xf32>,
        %get3A_269 = vector.shape_cast %get3A_268 : vector<1x16xf32> to vector<16xf32>
        %get3A_270 = arith.index_cast %scan3A_210 : i32 to index
        %get3A_271 = arith.constant 64 : index
        %get3A_272 = tpu.vector_load %arg10[%get3A_270, %get3A_271] {strides = array<i32>} : memref<64x256xf32, #tpu.memory_space<vmem>>, vector<1x16xf32>,
        %get3A_273 = vector.shape_cast %get3A_272 : vector<1x16xf32> to vector<16xf32>
        %add3A_274 = arith.addf %get3A_269, %get3A_273 : vector<16xf32>
        %swap3A_275 = arith.index_cast %scan3A_210 : i32 to index
        %swap3A_276 = arith.constant 64 : index
        %swap3A_277 = tpu.vector_load %arg9[%swap3A_275, %swap3A_276] {strides = array<i32>} : memref<64x256xf32, #tpu.memory_space<vmem>>, vector<1x16xf32>,
        %swap3A_278 = vector.shape_cast %swap3A_277 : vector<1x16xf32> to vector<16xf32>
        %swap3A_279 = vector.shape_cast %add3A_274 : vector<16xf32> to vector<1x16xf32>
        tpu.vector_store %arg9[%swap3A_275, %swap3A_276], %swap3A_279 {strides = array<i32>} : memref<64x256xf32, #tpu.memory_space<vmem>>, vector<1x16xf32>,
        %get3A_280 = arith.index_cast %scan3A_210 : i32 to index
        %get3A_281 = arith.constant 80 : index
        %get3A_282 = tpu.vector_load %arg9[%get3A_280, %get3A_281] {strides = array<i32>} : memref<64x256xf32, #tpu.memory_space<vmem>>, vector<1x16xf32>,
        %get3A_283 = vector.shape_cast %get3A_282 : vector<1x16xf32> to vector<16xf32>
        %get3A_284 = arith.index_cast %scan3A_210 : i32 to index
        %get3A_285 = arith.constant 80 : index
        %get3A_286 = tpu.vector_load %arg10[%get3A_284, %get3A_285] {strides = array<i32>} : memref<64x256xf32, #tpu.memory_space<vmem>>, vector<1x16xf32>,
        %get3A_287 = vector.shape_cast %get3A_286 : vector<1x16xf32> to vector<16xf32>
        %add3A_288 = arith.addf %get3A_283, %get3A_287 : vector<16xf32>
        %swap3A_289 = arith.index_cast %scan3A_210 : i32 to index
        %swap3A_290 = arith.constant 80 : index
        %swap3A_291 = tpu.vector_load %arg9[%swap3A_289, %swap3A_290] {strides = array<i32>} : memref<64x256xf32, #tpu.memory_space<vmem>>, vector<1x16xf32>,
        %swap3A_292 = vector.shape_cast %swap3A_291 : vector<1x16xf32> to vector<16xf32>
        %swap3A_293 = vector.shape_cast %add3A_288 : vector<16xf32> to vector<1x16xf32>
        tpu.vector_store %arg9[%swap3A_289, %swap3A_290], %swap3A_293 {strides = array<i32>} : memref<64x256xf32, #tpu.memory_space<vmem>>, vector<1x16xf32>,
        %get3A_294 = arith.index_cast %scan3A_210 : i32 to index
        %get3A_295 = arith.constant 96 : index
        %get3A_296 = tpu.vector_load %arg9[%get3A_294, %get3A_295] {strides = array<i32>} : memref<64x256xf32, #tpu.memory_space<vmem>>, vector<1x16xf32>,
        %get3A_297 = vector.shape_cast %get3A_296 : vector<1x16xf32> to vector<16xf32>
        %get3A_298 = arith.index_cast %scan3A_210 : i32 to index
        %get3A_299 = arith.constant 96 : index
        %get3A_300 = tpu.vector_load %arg10[%get3A_298, %get3A_299] {strides = array<i32>} : memref<64x256xf32, #tpu.memory_space<vmem>>, vector<1x16xf32>,
        %get3A_301 = vector.shape_cast %get3A_300 : vector<1x16xf32> to vector<16xf32>
        %add3A_302 = arith.addf %get3A_297, %get3A_301 : vector<16xf32>
        %swap3A_303 = arith.index_cast %scan3A_210 : i32 to index
        %swap3A_304 = arith.constant 96 : index
        %swap3A_305 = tpu.vector_load %arg9[%swap3A_303, %swap3A_304] {strides = array<i32>} : memref<64x256xf32, #tpu.memory_space<vmem>>, vector<1x16xf32>,
        %swap3A_306 = vector.shape_cast %swap3A_305 : vector<1x16xf32> to vector<16xf32>
        %swap3A_307 = vector.shape_cast %add3A_302 : vector<16xf32> to vector<1x16xf32>
        tpu.vector_store %arg9[%swap3A_303, %swap3A_304], %swap3A_307 {strides = array<i32>} : memref<64x256xf32, #tpu.memory_space<vmem>>, vector<1x16xf32>,
        %get3A_308 = arith.index_cast %scan3A_210 : i32 to index
        %get3A_309 = arith.constant 112 : index
        %get3A_310 = tpu.vector_load %arg9[%get3A_308, %get3A_309] {strides = array<i32>} : memref<64x256xf32, #tpu.memory_space<vmem>>, vector<1x16xf32>,
        %get3A_311 = vector.shape_cast %get3A_310 : vector<1x16xf32> to vector<16xf32>
        %get3A_312 = arith.index_cast %scan3A_210 : i32 to index
        %get3A_313 = arith.constant 112 : index
        %get3A_314 = tpu.vector_load %arg10[%get3A_312, %get3A_313] {strides = array<i32>} : memref<64x256xf32, #tpu.memory_space<vmem>>, vector<1x16xf32>,
        %get3A_315 = vector.shape_cast %get3A_314 : vector<1x16xf32> to vector<16xf32>
        %add3A_316 = arith.addf %get3A_311, %get3A_315 : vector<16xf32>
        %swap3A_317 = arith.index_cast %scan3A_210 : i32 to index
        %swap3A_318 = arith.constant 112 : index
        %swap3A_319 = tpu.vector_load %arg9[%swap3A_317, %swap3A_318] {strides = array<i32>} : memref<64x256xf32, #tpu.memory_space<vmem>>, vector<1x16xf32>,
        %swap3A_320 = vector.shape_cast %swap3A_319 : vector<1x16xf32> to vector<16xf32>
        %swap3A_321 = vector.shape_cast %add3A_316 : vector<16xf32> to vector<1x16xf32>
        tpu.vector_store %arg9[%swap3A_317, %swap3A_318], %swap3A_321 {strides = array<i32>} : memref<64x256xf32, #tpu.memory_space<vmem>>, vector<1x16xf32>,
        %get3A_322 = arith.index_cast %scan3A_210 : i32 to index
        %get3A_323 = arith.constant 128 : index
        %get3A_324 = tpu.vector_load %arg9[%get3A_322, %get3A_323] {strides = array<i32>} : memref<64x256xf32, #tpu.memory_space<vmem>>, vector<1x16xf32>,
        %get3A_325 = vector.shape_cast %get3A_324 : vector<1x16xf32> to vector<16xf32>
        %get3A_326 = arith.index_cast %scan3A_210 : i32 to index
        %get3A_327 = arith.constant 128 : index
        %get3A_328 = tpu.vector_load %arg10[%get3A_326, %get3A_327] {strides = array<i32>} : memref<64x256xf32, #tpu.memory_space<vmem>>, vector<1x16xf32>,
        %get3A_329 = vector.shape_cast %get3A_328 : vector<1x16xf32> to vector<16xf32>
        %add3A_330 = arith.addf %get3A_325, %get3A_329 : vector<16xf32>
        %swap3A_331 = arith.index_cast %scan3A_210 : i32 to index
        %swap3A_332 = arith.constant 128 : index
        %swap3A_333 = tpu.vector_load %arg9[%swap3A_331, %swap3A_332] {strides = array<i32>} : memref<64x256xf32, #tpu.memory_space<vmem>>, vector<1x16xf32>,
        %swap3A_334 = vector.shape_cast %swap3A_333 : vector<1x16xf32> to vector<16xf32>
        %swap3A_335 = vector.shape_cast %add3A_330 : vector<16xf32> to vector<1x16xf32>
        tpu.vector_store %arg9[%swap3A_331, %swap3A_332], %swap3A_335 {strides = array<i32>} : memref<64x256xf32, #tpu.memory_space<vmem>>, vector<1x16xf32>,
        %get3A_336 = arith.index_cast %scan3A_210 : i32 to index
        %get3A_337 = arith.constant 144 : index
        %get3A_338 = tpu.vector_load %arg9[%get3A_336, %get3A_337] {strides = array<i32>} : memref<64x256xf32, #tpu.memory_space<vmem>>, vector<1x16xf32>,
        %get3A_339 = vector.shape_cast %get3A_338 : vector<1x16xf32> to vector<16xf32>
        %get3A_340 = arith.index_cast %scan3A_210 : i32 to index
        %get3A_341 = arith.constant 144 : index
        %get3A_342 = tpu.vector_load %arg10[%get3A_340, %get3A_341] {strides = array<i32>} : memref<64x256xf32, #tpu.memory_space<vmem>>, vector<1x16xf32>,
        %get3A_343 = vector.shape_cast %get3A_342 : vector<1x16xf32> to vector<16xf32>
        %add3A_344 = arith.addf %get3A_339, %get3A_343 : vector<16xf32>
        %swap3A_345 = arith.index_cast %scan3A_210 : i32 to index
        %swap3A_346 = arith.constant 144 : index
        %swap3A_347 = tpu.vector_load %arg9[%swap3A_345, %swap3A_346] {strides = array<i32>} : memref<64x256xf32, #tpu.memory_space<vmem>>, vector<1x16xf32>,
        %swap3A_348 = vector.shape_cast %swap3A_347 : vector<1x16xf32> to vector<16xf32>
        %swap3A_349 = vector.shape_cast %add3A_344 : vector<16xf32> to vector<1x16xf32>
        tpu.vector_store %arg9[%swap3A_345, %swap3A_346], %swap3A_349 {strides = array<i32>} : memref<64x256xf32, #tpu.memory_space<vmem>>, vector<1x16xf32>,
        %get3A_350 = arith.index_cast %scan3A_210 : i32 to index
        %get3A_351 = arith.constant 160 : index
        %get3A_352 = tpu.vector_load %arg9[%get3A_350, %get3A_351] {strides = array<i32>} : memref<64x256xf32, #tpu.memory_space<vmem>>, vector<1x16xf32>,
        %get3A_353 = vector.shape_cast %get3A_352 : vector<1x16xf32> to vector<16xf32>
        %get3A_354 = arith.index_cast %scan3A_210 : i32 to index
        %get3A_355 = arith.constant 160 : index
        %get3A_356 = tpu.vector_load %arg10[%get3A_354, %get3A_355] {strides = array<i32>} : memref<64x256xf32, #tpu.memory_space<vmem>>, vector<1x16xf32>,
        %get3A_357 = vector.shape_cast %get3A_356 : vector<1x16xf32> to vector<16xf32>
        %add3A_358 = arith.addf %get3A_353, %get3A_357 : vector<16xf32>
        %swap3A_359 = arith.index_cast %scan3A_210 : i32 to index
        %swap3A_360 = arith.constant 160 : index
        %swap3A_361 = tpu.vector_load %arg9[%swap3A_359, %swap3A_360] {strides = array<i32>} : memref<64x256xf32, #tpu.memory_space<vmem>>, vector<1x16xf32>,
        %swap3A_362 = vector.shape_cast %swap3A_361 : vector<1x16xf32> to vector<16xf32>
        %swap3A_363 = vector.shape_cast %add3A_358 : vector<16xf32> to vector<1x16xf32>
        tpu.vector_store %arg9[%swap3A_359, %swap3A_360], %swap3A_363 {strides = array<i32>} : memref<64x256xf32, #tpu.memory_space<vmem>>, vector<1x16xf32>,
        %get3A_364 = arith.index_cast %scan3A_210 : i32 to index
        %get3A_365 = arith.constant 176 : index
        %get3A_366 = tpu.vector_load %arg9[%get3A_364, %get3A_365] {strides = array<i32>} : memref<64x256xf32, #tpu.memory_space<vmem>>, vector<1x16xf32>,
        %get3A_367 = vector.shape_cast %get3A_366 : vector<1x16xf32> to vector<16xf32>
        %get3A_368 = arith.index_cast %scan3A_210 : i32 to index
        %get3A_369 = arith.constant 176 : index
        %get3A_370 = tpu.vector_load %arg10[%get3A_368, %get3A_369] {strides = array<i32>} : memref<64x256xf32, #tpu.memory_space<vmem>>, vector<1x16xf32>,
        %get3A_371 = vector.shape_cast %get3A_370 : vector<1x16xf32> to vector<16xf32>
        %add3A_372 = arith.addf %get3A_367, %get3A_371 : vector<16xf32>
        %swap3A_373 = arith.index_cast %scan3A_210 : i32 to index
        %swap3A_374 = arith.constant 176 : index
        %swap3A_375 = tpu.vector_load %arg9[%swap3A_373, %swap3A_374] {strides = array<i32>} : memref<64x256xf32, #tpu.memory_space<vmem>>, vector<1x16xf32>,
        %swap3A_376 = vector.shape_cast %swap3A_375 : vector<1x16xf32> to vector<16xf32>
        %swap3A_377 = vector.shape_cast %add3A_372 : vector<16xf32> to vector<1x16xf32>
        tpu.vector_store %arg9[%swap3A_373, %swap3A_374], %swap3A_377 {strides = array<i32>} : memref<64x256xf32, #tpu.memory_space<vmem>>, vector<1x16xf32>,
        %get3A_378 = arith.index_cast %scan3A_210 : i32 to index
        %get3A_379 = arith.constant 192 : index
        %get3A_380 = tpu.vector_load %arg9[%get3A_378, %get3A_379] {strides = array<i32>} : memref<64x256xf32, #tpu.memory_space<vmem>>, vector<1x16xf32>,
        %get3A_381 = vector.shape_cast %get3A_380 : vector<1x16xf32> to vector<16xf32>
        %get3A_382 = arith.index_cast %scan3A_210 : i32 to index
        %get3A_383 = arith.constant 192 : index
        %get3A_384 = tpu.vector_load %arg10[%get3A_382, %get3A_383] {strides = array<i32>} : memref<64x256xf32, #tpu.memory_space<vmem>>, vector<1x16xf32>,
        %get3A_385 = vector.shape_cast %get3A_384 : vector<1x16xf32> to vector<16xf32>
        %add3A_386 = arith.addf %get3A_381, %get3A_385 : vector<16xf32>
        %swap3A_387 = arith.index_cast %scan3A_210 : i32 to index
        %swap3A_388 = arith.constant 192 : index
        %swap3A_389 = tpu.vector_load %arg9[%swap3A_387, %swap3A_388] {strides = array<i32>} : memref<64x256xf32, #tpu.memory_space<vmem>>, vector<1x16xf32>,
        %swap3A_390 = vector.shape_cast %swap3A_389 : vector<1x16xf32> to vector<16xf32>
        %swap3A_391 = vector.shape_cast %add3A_386 : vector<16xf32> to vector<1x16xf32>
        tpu.vector_store %arg9[%swap3A_387, %swap3A_388], %swap3A_391 {strides = array<i32>} : memref<64x256xf32, #tpu.memory_space<vmem>>, vector<1x16xf32>,
        %get3A_392 = arith.index_cast %scan3A_210 : i32 to index
        %get3A_393 = arith.constant 208 : index
        %get3A_394 = tpu.vector_load %arg9[%get3A_392, %get3A_393] {strides = array<i32>} : memref<64x256xf32, #tpu.memory_space<vmem>>, vector<1x16xf32>,
        %get3A_395 = vector.shape_cast %get3A_394 : vector<1x16xf32> to vector<16xf32>
        %get3A_396 = arith.index_cast %scan3A_210 : i32 to index
        %get3A_397 = arith.constant 208 : index
        %get3A_398 = tpu.vector_load %arg10[%get3A_396, %get3A_397] {strides = array<i32>} : memref<64x256xf32, #tpu.memory_space<vmem>>, vector<1x16xf32>,
        %get3A_399 = vector.shape_cast %get3A_398 : vector<1x16xf32> to vector<16xf32>
        %add3A_400 = arith.addf %get3A_395, %get3A_399 : vector<16xf32>
        %swap3A_401 = arith.index_cast %scan3A_210 : i32 to index
        %swap3A_402 = arith.constant 208 : index
        %swap3A_403 = tpu.vector_load %arg9[%swap3A_401, %swap3A_402] {strides = array<i32>} : memref<64x256xf32, #tpu.memory_space<vmem>>, vector<1x16xf32>,
        %swap3A_404 = vector.shape_cast %swap3A_403 : vector<1x16xf32> to vector<16xf32>
        %swap3A_405 = vector.shape_cast %add3A_400 : vector<16xf32> to vector<1x16xf32>
        tpu.vector_store %arg9[%swap3A_401, %swap3A_402], %swap3A_405 {strides = array<i32>} : memref<64x256xf32, #tpu.memory_space<vmem>>, vector<1x16xf32>,
        %get3A_406 = arith.index_cast %scan3A_210 : i32 to index
        %get3A_407 = arith.constant 224 : index
        %get3A_408 = tpu.vector_load %arg9[%get3A_406, %get3A_407] {strides = array<i32>} : memref<64x256xf32, #tpu.memory_space<vmem>>, vector<1x16xf32>,
        %get3A_409 = vector.shape_cast %get3A_408 : vector<1x16xf32> to vector<16xf32>
        %get3A_410 = arith.index_cast %scan3A_210 : i32 to index
        %get3A_411 = arith.constant 224 : index
        %get3A_412 = tpu.vector_load %arg10[%get3A_410, %get3A_411] {strides = array<i32>} : memref<64x256xf32, #tpu.memory_space<vmem>>, vector<1x16xf32>,
        %get3A_413 = vector.shape_cast %get3A_412 : vector<1x16xf32> to vector<16xf32>
        %add3A_414 = arith.addf %get3A_409, %get3A_413 : vector<16xf32>
        %swap3A_415 = arith.index_cast %scan3A_210 : i32 to index
        %swap3A_416 = arith.constant 224 : index
        %swap3A_417 = tpu.vector_load %arg9[%swap3A_415, %swap3A_416] {strides = array<i32>} : memref<64x256xf32, #tpu.memory_space<vmem>>, vector<1x16xf32>,
        %swap3A_418 = vector.shape_cast %swap3A_417 : vector<1x16xf32> to vector<16xf32>
        %swap3A_419 = vector.shape_cast %add3A_414 : vector<16xf32> to vector<1x16xf32>
        tpu.vector_store %arg9[%swap3A_415, %swap3A_416], %swap3A_419 {strides = array<i32>} : memref<64x256xf32, #tpu.memory_space<vmem>>, vector<1x16xf32>,
        %get3A_420 = arith.index_cast %scan3A_210 : i32 to index
        %get3A_421 = arith.constant 240 : index
        %get3A_422 = tpu.vector_load %arg9[%get3A_420, %get3A_421] {strides = array<i32>} : memref<64x256xf32, #tpu.memory_space<vmem>>, vector<1x16xf32>,
        %get3A_423 = vector.shape_cast %get3A_422 : vector<1x16xf32> to vector<16xf32>
        %get3A_424 = arith.index_cast %scan3A_210 : i32 to index
        %get3A_425 = arith.constant 240 : index
        %get3A_426 = tpu.vector_load %arg10[%get3A_424, %get3A_425] {strides = array<i32>} : memref<64x256xf32, #tpu.memory_space<vmem>>, vector<1x16xf32>,
        %get3A_427 = vector.shape_cast %get3A_426 : vector<1x16xf32> to vector<16xf32>
        %add3A_428 = arith.addf %get3A_423, %get3A_427 : vector<16xf32>
        %swap3A_429 = arith.index_cast %scan3A_210 : i32 to index
        %swap3A_430 = arith.constant 240 : index
        %swap3A_431 = tpu.vector_load %arg9[%swap3A_429, %swap3A_430] {strides = array<i32>} : memref<64x256xf32, #tpu.memory_space<vmem>>, vector<1x16xf32>,
        %swap3A_432 = vector.shape_cast %swap3A_431 : vector<1x16xf32> to vector<16xf32>
        %swap3A_433 = vector.shape_cast %add3A_428 : vector<16xf32> to vector<1x16xf32>
        tpu.vector_store %arg9[%swap3A_429, %swap3A_430], %swap3A_433 {strides = array<i32>} : memref<64x256xf32, #tpu.memory_space<vmem>>, vector<1x16xf32>,
      }
      %scan3A_209 = arith.constant 64 : i32
      "tpu.region"() ({
        %run_scoped3A_210 = tpu.sem_alloc : memref<!tpu.dma_semaphore, #tpu.memory_space<semaphore_mem>>
        tpu.enqueue_dma source(%arg9 : memref<64x256xf32, #tpu.memory_space<vmem>>) target(%arg7 : memref<64x256xf32, #tpu.memory_space<hbm>>) target_semaphore(%run_scoped3A_210 : memref<!tpu.dma_semaphore, #tpu.memory_space<semaphore_mem>>)
        tpu.wait_dma2 semaphore(%run_scoped3A_210 : memref<!tpu.dma_semaphore, #tpu.memory_space<semaphore_mem>>) src(%arg9 : memref<64x256xf32, #tpu.memory_space<vmem>>) dst(%arg7 : memref<64x256xf32, #tpu.memory_space<hbm>>)
        tpu.yield
      }) : () -> ()
    } else {
    }
    return
  }
}

module attributes {stable_mosaic.version = 14 : i64} {
  func.func @_tc_add_body(%arg0: i32, %arg1: memref<128x64x256xf32, #tpu.memory_space<vmem>>, %arg2: memref<64x256xf32, #tpu.memory_space<vmem>>, %arg3: memref<128x64x256xf32, #tpu.memory_space<vmem>>) attributes {dimension_semantics = [#tpu.dimension_semantics<arbitrary>], iteration_bounds = array<i64: 32>, scalar_prefetch = 0 : i64, scratch_operands = 0 : i64, tpu.core_type = #tpu.core_type<tc>, window_params = [{transform_indices = @transform_0, window_bounds = array<i64: 128, 64, 256>}, {pipeline_mode = #tpu.pipeline_mode<synchronous>, transform_indices = @transform_1, window_bounds = array<i64: 64, 256>}, {transform_indices = @transform_2, window_bounds = array<i64: 128, 64, 256>}]} {
    %get3A = arith.constant 0 : index
    %get3A_0 = arith.constant 0 : index
    %get3A_1 = arith.constant 0 : index
    %get3A_2 = vector.load %arg1[%get3A, %get3A_0, %get3A_1] : memref<128x64x256xf32, #tpu.memory_space<vmem>>, vector<128x64x256xf32>
    %get3A_3 = arith.constant 0 : index
    %get3A_4 = arith.constant 0 : index
    %get3A_5 = vector.load %arg2[%get3A_3, %get3A_4] : memref<64x256xf32, #tpu.memory_space<vmem>>, vector<64x256xf32>
    %broadcast_in_dim3A = vector.shape_cast %get3A_5 : vector<64x256xf32> to vector<1x64x256xf32>
    %add3A = vector.broadcast %broadcast_in_dim3A : vector<1x64x256xf32> to vector<128x64x256xf32>
    %add3A_6 = arith.addf %get3A_2, %add3A : vector<128x64x256xf32>
    %swap3A = arith.constant 0 : index
    %swap3A_7 = arith.constant 0 : index
    %swap3A_8 = arith.constant 0 : index
    %swap3A_9 = vector.load %arg3[%swap3A, %swap3A_7, %swap3A_8] : memref<128x64x256xf32, #tpu.memory_space<vmem>>, vector<128x64x256xf32>
    tpu.vector_store %arg3[%swap3A, %swap3A_7, %swap3A_8], %add3A_6 {strides = array<i32>} : memref<128x64x256xf32, #tpu.memory_space<vmem>>, vector<128x64x256xf32>,
    return
  }
  func.func @transform_0(%arg0: i32) -> (i32, i32, i32) {
    %c0_i32 = arith.constant 0 : i32
    %c0_i32_0 = arith.constant 0 : i32
    %c0_i32_1 = arith.constant 0 : i32
    return %arg0, %c0_i32, %c0_i32_0 : i32, i32, i32
  }
  func.func @transform_1(%arg0: i32) -> (i32, i32) {
    %c0_i32 = arith.constant 0 : i32
    %c0_i32_0 = arith.constant 0 : i32
    %c0_i32_1 = arith.constant 0 : i32
    return %c0_i32, %c0_i32_0 : i32, i32
  }
  func.func @transform_2(%arg0: i32) -> (i32, i32, i32) {
    %c0_i32 = arith.constant 0 : i32
    %c0_i32_0 = arith.constant 0 : i32
    %c0_i32_1 = arith.constant 0 : i32
    return %arg0, %c0_i32, %c0_i32_0 : i32, i32, i32
  }
}

</mosaic_0001>

<sc_bundles>
// kernel: kernel.4.cloned.1.call-start
scs
__scs_entry_jumppad:
0x0: {  	(pc) =	sbr.rel $0x88, $3  }
0x1: {  	(tag) =	ssettag $0x0;
	lr =	simm.s32 $0x1  }
0x2: {  	[smem:$0x3F9B] =	sst lr;
	_ =	strace $0xD0000000  }
0x3: {  	_ = 	snop  }
0x4: {  	_ = 	snop  }
0x5: {  	_ = 	snop  }
0x6: {  	_ = 	snop  }
0x7: {  	_ = 	snop  }
__scs_overlays_trampoline_lowered:
0x8: {  	[smem:$0x3FAA] =	sst s0  }
0x9: {  	[smem:$0x3FAB] =	sst s1  }
0xa: {  	[smem:$0x3FAC] =	sst s2  }
0xb: {  	[smem:$0x3FAD] =	sst s3  }
0xc: {  	[smem:$0x3FAE] =	sst s4  }
0xd: {  	[smem:$0x3FAF] =	sst s5  }
0xe: {  	[smem:$0x3FB0] =	sst s6  }
0xf: {  	[smem:$0x3FB1] =	sst s7  }
0x10: {  	[smem:$0x3FB2] =	sst s8  }
0x11: {  	[smem:$0x3FB3] =	sst s9;
	s0 =	simm.s32 @!p0 $0x0  }
0x12: {  	s1 =	sld [smem:$0x3F99];
	s0 =	simm.s32 @p0 $0x1  }
0x13: {  	[smem:$0x3FB4] =	sst s0;
	s0 =	simm.s32 @!p1 $0x0  }
0x14: {  	s2 =	sld [smem:$0x3F98];
	s0 =	simm.s32 @p1 $0x1  }
0x15: {  	[smem:$0x3FB5] =	sst s0;
	s0 =	simm.s32 @!p2 $0x0  }
0x16: {  	s3 =	sld [smem:$0x3FDB];
	s0 =	simm.s32 @p2 $0x1  }
0x17: {  	s4 =	simm.s32 $0x1BF5;
	[smem:$0x3FB7] =	sst s0  }
0x18: {  	s0 =	sld [smem:$0x3F9A];
	_ =	swait.ge [sflag:s4], $0x0  }
0x19: {  	s7 =	sld [smem:$0x3F9B]  }
0x1a: {  	s8 =	sadd.s32 $0xFFFFE003, lr  }
0x1b: {  	s9 =	sadd.s32 $0xFFFFFEF7, lr;
	s5 =	simm.s32 $0xFFFFFFFF;
	p2 =	slt.u32 s8, $0xFFFFF086  }
0x1c: {  	p1 =	slt.u32 s9, $0xF7A;
	s5 =	simm.s32 @!p2 $0x0  }
0x1d: {  	s5 =	simm.s32 @p1 $0x1;
	p0 =	seq.s32 s7, s2  }
0x1e: {  	s7 =	smul.u32 @!p0 $0xF7A, s2;
	p2 =	seq.s32 @!p0 s5, $0x0  }
0x1f: {  	s9 =	smul.u32 $0xF7A, s1;
	s8 =	simm.s32 @!p0 $0x1BF5;
	p2 =	por !p2, p0  }
0x20: {  	[sflag:s8] =	ssyncset.s32 @!p0 $0xFFFFF086;
	s6 =	sadd.s32 @!p0 s3, s7;
	s7 =	simm.s32 @!p0 $0x108  }
0x21: {  	s3 =	sadd.s32 s3, s9;
	s6 =	sadd.s32 @!p0 $0x88, s6;
	s7 =	simm.s32 @p2 $0x1082  }
0x22: {  	[simem:s7], [sflag:s8] =	dma.local @!p0 [hbm:s6], $0xF7A  }
0x23: {  	s9 =	sor.u32 $0xD0000000, s2;
	s6 =	simm.s32 $0x108;
	_ =	swait.ge @!p0 [sflag:s8], $0x0  }
0x24: {  	s3 =	sadd.s32 $0x88, s3;
	s6 =	simm.s32 @!p1 $0x1082;
	[sflag:s4] =	ssyncset.s32 $0xFFFFF086  }
0x25: {  	[simem:s6], [sflag:s4] =	dma.local [hbm:s3], $0xF7A  }
0x26: {  	[smem:$0x3F9B] =	sst s1;
	(tag) =	ssettag s2;
	_ =	strace s9  }
0x27: {  	s1 =	sld [smem:$0x3FAB]  }
0x28: {  	s2 =	sld [smem:$0x3FAC]  }
0x29: {  	s4 =	sld [smem:$0x3FAE]  }
0x2a: {  	p0 =	seq.s32 s5, $0x0;
	s5 =	sld [smem:$0x3FAF]  }
0x2b: {  	s6 =	sld [smem:$0x3FB0]  }
0x2c: {  	s7 =	sld [smem:$0x3FB1]  }
0x2d: {  	s3 =	simm.s32 $0x108;
	s8 =	sld [smem:$0x3FB2]  }
0x2e: {  	s3 =	simm.s32 @!p0 $0x1082;
	s9 =	sld [smem:$0x3FB3]  }
0x2f: {  	lr =	sadd.s32 s0, s3;
	s0 =	sld [smem:$0x3FAA]  }
0x30: {  	s3 =	sld [smem:$0x3FAD]  }
0x31: {  	[smem:$0x3FB6] =	sst s10  }
0x32: {  	s10 =	sld [smem:$0x3FB4];
	_ =	sdelay $0x3  }
0x33: {  	p0 =	seq.s32 s10, $0x1;
	s10 =	sld [smem:$0x3FB6];
	_ =	sdelay $0x3  }
0x34: {  	[smem:$0x3FB6] =	sst s10  }
0x35: {  	s10 =	sld [smem:$0x3FB5];
	_ =	sdelay $0x3  }
0x36: {  	p1 =	seq.s32 s10, $0x1;
	s10 =	sld [smem:$0x3FB6];
	_ =	sdelay $0x3  }
0x37: {  	[smem:$0x3FB6] =	sst s10  }
0x38: {  	s10 =	sld [smem:$0x3FB7]  }
0x39: {  	_ = 	snop;
	(pc) =	sbr.ind lr, $3  }
0x3a: {  	_ = 	snop  }
0x3b: {  	_ = 	snop  }
0x3c: {  	p2 =	seq.s32 s10, $0x1;
	s10 =	sld [smem:$0x3FB6]  }
0x3d: {  	_ =	shalt  }
0x3e: {  	_ =	shalt  }
0x3f: {  	_ =	shalt  }
0x40: {  	_ =	shalt  }
0x41: {  	_ =	shalt  }
0x42: {  	_ =	shalt  }
0x43: {  	_ =	shalt  }
0x44: {  	_ =	shalt  }
0x45: {  	_ =	shalt  }
0x46: {  	_ =	shalt  }
0x47: {  	_ =	shalt  }
0x48: {  	_ =	shalt  }
0x49: {  	_ =	shalt  }
0x4a: {  	_ =	shalt  }
0x4b: {  	_ =	shalt  }
0x4c: {  	_ =	shalt  }
0x4d: {  	_ =	shalt  }
0x4e: {  	_ =	shalt  }
0x4f: {  	_ =	shalt  }
0x50: {  	_ =	shalt  }
0x51: {  	_ =	shalt  }
0x52: {  	_ =	shalt  }
0x53: {  	_ =	shalt  }
0x54: {  	_ =	shalt  }
0x55: {  	_ =	shalt  }
0x56: {  	_ =	shalt  }
0x57: {  	_ =	shalt  }
0x58: {  	_ =	shalt  }
0x59: {  	_ =	shalt  }
0x5a: {  	_ =	shalt  }
0x5b: {  	_ =	shalt  }
0x5c: {  	_ =	shalt  }
0x5d: {  	_ =	shalt  }
0x5e: {  	_ =	shalt  }
0x5f: {  	_ =	shalt  }
0x60: {  	_ =	shalt  }
0x61: {  	_ =	shalt  }
0x62: {  	_ =	shalt  }
0x63: {  	_ =	shalt  }
0x64: {  	_ =	shalt  }
0x65: {  	_ =	shalt  }
0x66: {  	_ =	shalt  }
0x67: {  	_ =	shalt  }
0x68: {  	_ =	shalt  }
0x69: {  	_ =	shalt  }
0x6a: {  	_ =	shalt  }
0x6b: {  	_ =	shalt  }
0x6c: {  	_ =	shalt  }
0x6d: {  	_ =	shalt  }
0x6e: {  	_ =	shalt  }
0x6f: {  	_ =	shalt  }
0x70: {  	_ =	shalt  }
0x71: {  	_ =	shalt  }
0x72: {  	_ =	shalt  }
0x73: {  	_ =	shalt  }
0x74: {  	_ =	shalt  }
0x75: {  	_ =	shalt  }
0x76: {  	_ =	shalt  }
0x77: {  	_ =	shalt  }
0x78: {  	_ =	shalt  }
0x79: {  	_ =	shalt  }
0x7a: {  	_ =	shalt  }
0x7b: {  	_ =	shalt  }
0x7c: {  	_ =	shalt  }
0x7d: {  	_ =	shalt  }
0x7e: {  	_ =	shalt  }
0x7f: {  	_ =	shalt  }
0x80: {  	_ =	shalt  }
0x81: {  	_ =	shalt  }
0x82: {  	_ =	shalt  }
0x83: {  	_ =	shalt  }
0x84: {  	_ =	shalt  }
0x85: {  	_ =	shalt  }
0x86: {  	_ =	shalt  }
0x87: {  	_ =	shalt  }
.Lfunc_end0:
.L_simem_size_0:
called_computation_lowered:
.L_overlay_start_0:
0x88: {  	s2 =	sld [smem:$0x3FD9]  }
0x89: {  	s3 =	sld [smem:$0x3FFE];
	_ =	sdelay $0x1  }
0x8a: {  	s1 =	srdreg.scid  }
0x8b: {  	s0 =	sand.u32 $0x1, s1  }
0x8c: {  	s18 =	sshll.u32 s0, $0xA;
	s2 =	sadd.s32 s3, s2  }
0x8d: {  	s2 =	sadd.s32 s2, s18  }
0x8e: {  	[smem:$0x3FC2] =	sst s2  }
0x8f: {  	_ = 	snop  }
0x90: {  	s2 =	sld [smem:$0x3FC8]  }
0x91: {  	s19 =	sld [smem:$0x3FC7]  }
0x92: {  	s4 =	sld [smem:$0x3FC6]  }
0x93: {  	s5 =	sld [smem:$0x3FC5]  }
0x94: {  	s6 =	sld [smem:$0x3FC4]  }
0x95: {  	s7 =	sld [smem:$0x3FD0];
	(tm) =	ssettm $0x1  }
0x96: {  	s8 =	sld [smem:$0x3FFB];
	_ =	sdelay $0x3  }
0x97: {  	_ =	strace s8  }
0x98: {  	s8 =	sld [smem:$0x3FFC];
	_ =	sdelay $0x3  }
0x99: {  	_ =	strace s8  }
0x9a: {  	s8 =	sld [smem:$0x3FFD];
	_ =	sdelay $0x3  }
0x9b: {  	_ =	strace s8  }
0x9c: {  	_ =	strace $0x8FFFFFFF  }
0x9d: {  	s20 =	sld [smem:$0x3FDB];
	_ =	sdelay $0x1  }
0x9e: {  	s9 =	simm.s32 $_scs_section_size  }
0x9f: {  	s10 =	simm.s32 $_size__tile_overlayer_lowered;
	s11 =	simm.s32 $_tile_overlayer_lowered  }
0xa0: {  	s23 =	simm.s32 $0x1BFF;
	s22 =	sshll.u32 s11, $0x1;
	s8 =	sadd.s32 s9, s20  }
0xa1: {  	s12 =	simm.s32 $0x0;
	s21 =	sshll.u32 s10, $0x1;
	s10 =	sadd.s32 s22, s8  }
0xa2: {  	[timem:s12], [sflag:s23] =	dma.local [hbm:s10], s21  }
0xa3: {  	_ =	swait.ge [sflag:s23], s21  }
0xa4: {  	s9 =	ssub.s32 $0x0, s21;
	[sflag:s23] =	ssyncset.done $0x0  }
0xa5: {  	[sflag:s23] =	ssyncadd.s32 s9;
	_ =	sdelay $0x1  }
0xa6: {  	s24 =	simm.s32 $0x1B8B  }
0xa7: {  	_ =	swait.ge [sflag:s24], $0x1  }
0xa8: {  	[sflag:s24] =	ssyncset.done $0x0  }
0xa9: {  	s25 =	simm.s32 $0x1B8E;
	[sflag:s24] =	ssyncadd.s32 $0xFFFFFFFF  }
0xaa: {  	s26 =	simm.s32 $execute0_lowered;
	[smem:$0x3FD2] =	sst s25  }
0xab: {  	s9 =	sshll.u32 s26, $0x1;
	_ =	strace $0x80000046;
	[dreg:$0x1] =	wrdreg $0xFFFFFFFF  }
0xac: {  	s28 =	simm.s32 $_size_execute0_lowered;
	s8 =	sadd.s32 s8, s9;
	[dreg:$0x0] =	wrdreg $0x0  }
0xad: {  	s9 =	sshll.u32 s28, $0x1;
	[dreg:$0x2] =	wrdreg s8  }
0xae: {  	[dreg:$0x3] =	wrdreg s9  }
0xaf: {  	[dreg:$0x4] =	wrdreg $0xC0  }
0xb0: {  	_ =	task [dreg:s12], $0x5FFFF  }
0xb1: {  	[dreg:$0x1] =	wrdreg $0xFFFFFFFF  }
0xb2: {  	[dreg:$0x0] =	wrdreg $0x60  }
0xb3: {  	[dreg:$0x2] =	wrdreg s2  }
0xb4: {  	[dreg:$0x3] =	wrdreg s19  }
0xb5: {  	[dreg:$0x4] =	wrdreg s4  }
0xb6: {  	[dreg:$0x5] =	wrdreg s5  }
0xb7: {  	[dreg:$0x6] =	wrdreg s6  }
0xb8: {  	[dreg:$0x7] =	wrdreg s7  }
0xb9: {  	[dreg:$0x8] =	wrdreg $0x9  }
0xba: {  	_ =	task.clear_ibuf [dreg:s12], $0x9FFFF;
	_ =	strace $0x90000046  }
0xbb: {  	s29 =	simm.s32 $0x9;
	_ =	strace $0x80000048  }
0xbc: {  	_ =	swait.ge [sflag:s29], $0x1  }
0xbd: {  	[sflag:s29] =	ssyncadd.s32 $0xFFFFFFFF  }
0xbe: {  	_ =	strace $0x90000048  }
0xbf: {  	_ =	sfence  }
0xc0: {  	s30 =	sld [smem:$0x0];
	_ =	sdelay $0x2  }
0xc1: {  	s31 =	sshll.u32 s1, $0xD;
	s1 =	sshrl.u32 s1, $0x2  }
0xc2: {  	s3 =	sand.u32 $0x4000, s31;
	s1 =	sadd.s32 s1, s30  }
0xc3: {  	s0 =	sor.u32 s3, s0;
	s1 =	sshll.u32 s1, $0x11  }
0xc4: {  	s0 =	sor.u32 s1, s0  }
0xc5: {  	s0 =	sadd.s32 $0x8F2B, s0  }
0xc6: {  	[sflag:s0] =	ssyncadd.remote.s32 $0x1  }
0xc7: {  	_ =	sfence.sel $0xFFFF  }
0xc8: {  	[dreg:$0x0] =	wrdreg $0xFFFFFFFF;
	(pc) =	sbr.abs _section_cstart, $3  }
0xc9: {  	[dreg:$0x1] =	wrdreg $0xFFFFFFFF  }
0xca: {  	_ =	task.clear_ibuf [dreg:s12], $0x2FFFF;
	_ =	strace $0x9FFFFFFF  }
0xcb: {  	(tm) =	ssettm $0x7FFFFFFF  }
tec
execute0_lowered:
.L_overlay_start_1:
0x0: {  	(tag) =	ssettag $0x1  }
0x1: {  	s3 =	srdreg.scid  }
0x2: {  	s8 =	sand.u32 $0x1, s3;
	s3 =	stileid.u32  }
0x3: {  	s0 =	rddreg [dreg:$0x0];
	s9 =	sshll.u32 s3, $0x1;
	s10 =	ssub.s32 $0x0, s8  }
0x4: {  	s1 =	rddreg [dreg:$0x1];
	p0 =	sne.s32 s9, s10  }
.Ltmp0:
0x5: {  	s2 =	rddreg [dreg:$0x2];
	(pc) =	sbr.rel @p0 .LBB2_11-.Ltmp0, $4  }
0x6: {  	s4 =	rddreg [dreg:$0x3]  }
0x7: {  	s6 =	rddreg [dreg:$0x4]  }
0x8: {  	s7 =	rddreg [dreg:$0x5]  }
0x9: {  	s5 =	rddreg [dreg:$0x6];
	_ =	strace $0x80000047  }
0xa: {  	v3 =	vlaneseq.u32  }
0xb: {  	vm0 =	vmmov $0xffff;
	v10 =	vimm.s32 $0x87654321;
	v11 =	vimm.s32 $0xA9876543  }
0xc: {  	v12 =	vimm.s32 $0x98765432;
	v13 =	vimm.s32 $0x76543210;
	v15 =	vimm.s32 $0xCBA98765  }
0xd: {  	v17 =	vimm.s32 $0xDCBA9876;
	vm1 =	vcmask $0x1F00;
	v20 =	vimm.s32 $0x3456789A  }
0xe: {  	v21 =	vimm.s32 $0x23456789;
	v22 =	vimm.s32 $0x456789AB;
	v23 =	vimm.s32 $0x789ABCDE  }
0xf: {  	v0 =	vand.u32 $0x7, v3;
	v1 =	vshrl.u32 v3, $0x3;
	v3 =	vor.u32 $0x8, v3  }
0x10: {  	v10 =	vunpack.c.l.s4.s8 v10;
	v11 =	vunpack.c.l.s4.s8 v11;
	v12 =	vunpack.c.l.s4.s8 v12  }
0x11: {  	v13 =	vunpack.c.l.s4.s8 v13;
	v17 =	vunpack.c.l.s4.s8 v17;
	v20 =	vunpack.c.l.s4.s8 v20  }
0x12: {  	v21 =	vunpack.c.l.s4.s8 v21;
	v22 =	vunpack.c.l.s4.s8 v22;
	v23 =	vunpack.c.l.s4.s8 v23  }
0x13: {  	v4 =	vperm.xlane v0, v0;
	v2 =	vmul.u32 $0x8, v1;
	v5 =	vperm.xlane v0, v3  }
0x14: {  	v9 =	vperm.xlane v1, v0;
	v6 =	vor.u32 $0x2, v1;
	v7 =	vor.u32 $0x4, v1  }
0x15: {  	v8 =	vor.u32 $0x6, v1;
	v14 =	vperm.xlane v1, v3;
	v10 =	vunpack.c.0.s8.s32 v10  }
0x16: {  	v11 =	vunpack.c.0.s8.s32 v11;
	v12 =	vunpack.c.0.s8.s32 v12;
	v13 =	vunpack.c.0.s8.s32 v13  }
0x17: {  	v16 =	vand.u32 $0xF, v10;
	v10 =	vunpack.c.l.s4.s8 v15;
	v15 =	vimm.s32 $0xBA987654  }
0x18: {  	v20 =	vunpack.c.0.s8.s32 v20;
	v12 =	vcombine.low v12, v11;
	v11 =	vunpack.c.l.s4.s8 v15  }
0x19: {  	v21 =	vunpack.c.0.s8.s32 v21;
	v15 =	vunpack.c.0.s8.s32 v10;
	v10 =	vimm.s32 $0xEDCBA987  }
0x1a: {  	v22 =	vunpack.c.0.s8.s32 v22;
	v18 =	vunpack.c.0.s8.s32 v11;
	v19 =	vunpack.c.l.s4.s8 v10  }
0x1b: {  	v11 =	vcombine.low v13, v16;
	v16 =	vunpack.c.0.s8.s32 v17;
	v17 =	vimm.s32 $0x7654321  }
0x1c: {  	v10 =	vadd.s32 v2, v14;
	v17 =	vunpack.c.l.s4.s8 v17;
	v14 =	vcombine.low v18, v15  }
0x1d: {  	v15 =	vunpack.c.0.s8.s32 v19;
	v18 =	vimm.s32 $0x12345678;
	v19 =	vimm.s32 $0x1234567  }
0x1e: {  	v23 =	vunpack.c.0.s8.s32 v23;
	v18 =	vunpack.c.l.s4.s8 v18;
	v19 =	vunpack.c.l.s4.s8 v19  }
0x1f: {  	v4 =	vadd.s32 v2, v4;
	v13 =	vnsel vm1, $0x10, v13;
	v17 =	vunpack.c.0.s8.s32 v17  }
0x20: {  	vm1 =	vcmask $0x3B20;
	v18 =	vunpack.c.0.s8.s32 v18;
	v19 =	vunpack.c.0.s8.s32 v19  }
0x21: {  	v15 =	vcombine.low v16, v15;
	v16 =	vsel vm1, v17, v13;
	v13 =	vimm.s32 $0x5060710  }
0x22: {  	v17 =	vcombine.low v19, v18;
	v18 =	vcombine.low v21, v20;
	v20 =	vimm.s32 $0x1020304  }
0x23: {  	v5 =	vadd.s32 v2, v5;
	v13 =	vunpack.c.0.s8.s32 v13;
	v20 =	vunpack.c.0.s8.s32 v20  }
0x24: {  	v9 =	vadd.s32 v2, v9;
	vm1 =	vcmask $0x1F10;
	v21 =	vimm.s32 $0x56789ABC  }
0x25: {  	v21 =	vunpack.c.l.s4.s8 v21;
	v13 =	vsel vm1, v20, v13;
	v20 =	vimm.s32 $0x6789ABCD  }
0x26: {  	v24 =	vperm.xlane v16, v0;
	v16 =	vperm.xlane v16, v3;
	v20 =	vunpack.c.l.s4.s8 v20  }
0x27: {  	s8 =	ssub.s32 $0x2, s8;
	s10 =	simm.s32 $0x80;
	v12 =	vand.u32 $0xF, v12;
	v21 =	vunpack.c.0.s8.s32 v21;
	v19 =	vcombine.low v19, v13  }
0x28: {  	s11 =	simm.s32 $0x2;
	s12 =	simm.s32 $0x4080;
	s13 =	simm.s32 $0x4880;
	v16 =	vadd.s32 v2, v16;
	v17 =	vand.u32 $0xF, v17;
	v20 =	vunpack.c.0.s8.s32 v20  }
0x29: {  	s14 =	simm.s32 $0x5080;
	s15 =	simm.s32 $0x5880;
	s16 =	simm.s32 $0x6080;
	v18 =	vand.u32 $0xF, v18;
	v21 =	vcombine.low v22, v21;
	v22 =	vperm.xlane v19, v0  }
0x2a: {  	s17 =	simm.s32 $0x6880;
	s18 =	simm.s32 $0x7080;
	s9 =	sshrl.u32 s8, $0x1;
	v13 =	vand.u32 $0xF, v14;
	v20 =	vcombine.low v20, v23;
	v23 =	vperm.xlane v19, v3  }
0x2b: {  	s19 =	simm.s32 $0x7880;
	s20 =	simm.s32 $0x1;
	s8 =	ssub.s32 s8, s9;
	v14 =	vand.u32 $0xF, v15;
	v15 =	vadd.s32 v2, v24;
	v19 =	vand.u32 $0xF, v21  }
0x2c: {  	s21 =	simm.s32 $0x0;
	s9 =	simm.s32 $0x0;
	s8 =	smax.u32 s8, $0x1;
	v21 =	vadd.s32 v2, v22;
	v20 =	vand.u32 $0xF, v20;
	v22 =	vadd.s32 v2, v23  }
.LBB2_2:
0x2d: {  	[tilespmem:s10], [sflag:$0x2] =	stream.linear.gather [hbm4b:s0+s9], $0x4000, $0x38;
	[tilespmem:$0x8080] =	vst v63  }
0x2e: {  	_ =	swait.ge [sflag:s11], $0x4000  }
0x2f: {  	[sflag:s11] =	ssyncset.done $0x0  }
0x30: {  	[sflag:s11] =	ssyncadd.s32 $0xFFFFC000  }
0x31: {  	[tilespmem:$0x0] =	vst v0  }
0x32: {  	[tilespmem:$0x10] =	vst v0  }
0x33: {  	[tilespmem:$0x20] =	vst v0  }
0x34: {  	[tilespmem:$0x30] =	vst v0  }
0x35: {  	[tilespmem:s12], [sflag:$0x1] =	stream.indirect_vreg.gather [hbm4b:s1+s9], $0x80, v4, vm0, $0xb8;
	[tilespmem:$0x8080] =	vst v63  }
0x36: {  	_ = 	snop  }
0x37: {  	[tilespmem:s13], [sflag:$0x1] =	stream.indirect_vreg.gather [hbm4b:s1+s9], $0x80, v5, vm0, $0xb8;
	[tilespmem:$0x8080] =	vst v63  }
0x38: {  	v23 =	vld [tilespmem:$0x10];
	_ =	sdelay $0x4  }
0x39: {  	v24 =	vshll.u32 v23, $0x1  }
0x3a: {  	v23 =	vand.u32 $0x7, v23;
	v24 =	vand.u32 $0xFFFFFFF0, v24  }
0x3b: {  	v23 =	vor.u32 v23, v24  }
0x3c: {  	v24 =	vperm.xlane v23, v0;
	_ =	sdelay $0x1  }
0x3d: {  	v23 =	vperm.xlane v23, v3;
	v24 =	vadd.s32 v2, v24;
	_ =	sdelay $0x1  }
0x3e: {  	v23 =	vadd.s32 v2, v23;
	_ =	sdelay $0x2  }
0x3f: {  	[tilespmem:s14], [sflag:$0x1] =	stream.indirect_vreg.gather [hbm4b:s1+s9], $0x80, v24, vm0, $0xb8;
	[tilespmem:$0x8080] =	vst v63  }
0x40: {  	_ = 	snop  }
0x41: {  	[tilespmem:s15], [sflag:$0x1] =	stream.indirect_vreg.gather [hbm4b:s1+s9], $0x80, v23, vm0, $0xb8;
	[tilespmem:$0x8080] =	vst v63  }
0x42: {  	v23 =	vld [tilespmem:$0x20];
	_ =	sdelay $0x4  }
0x43: {  	v24 =	vshll.u32 v23, $0x1  }
0x44: {  	v23 =	vand.u32 $0x7, v23;
	v24 =	vand.u32 $0xFFFFFFF0, v24  }
0x45: {  	v23 =	vor.u32 v23, v24  }
0x46: {  	v24 =	vperm.xlane v23, v0;
	_ =	sdelay $0x1  }
0x47: {  	v23 =	vperm.xlane v23, v3;
	v24 =	vadd.s32 v2, v24;
	_ =	sdelay $0x1  }
0x48: {  	v23 =	vadd.s32 v2, v23;
	_ =	sdelay $0x2  }
0x49: {  	[tilespmem:s16], [sflag:$0x1] =	stream.indirect_vreg.gather [hbm4b:s1+s9], $0x80, v24, vm0, $0xb8;
	[tilespmem:$0x8080] =	vst v63  }
0x4a: {  	_ = 	snop  }
0x4b: {  	[tilespmem:s17], [sflag:$0x1] =	stream.indirect_vreg.gather [hbm4b:s1+s9], $0x80, v23, vm0, $0xb8;
	[tilespmem:$0x8080] =	vst v63  }
0x4c: {  	v23 =	vld [tilespmem:$0x30];
	_ =	sdelay $0x4  }
0x4d: {  	v24 =	vshll.u32 v23, $0x1  }
0x4e: {  	v23 =	vand.u32 $0x7, v23;
	v24 =	vand.u32 $0xFFFFFFF0, v24  }
0x4f: {  	v23 =	vor.u32 v23, v24  }
0x50: {  	v24 =	vperm.xlane v23, v0;
	_ =	sdelay $0x1  }
0x51: {  	v23 =	vperm.xlane v23, v3;
	v24 =	vadd.s32 v2, v24;
	_ =	sdelay $0x1  }
0x52: {  	v23 =	vadd.s32 v2, v23;
	_ =	sdelay $0x2  }
0x53: {  	[tilespmem:s18], [sflag:$0x1] =	stream.indirect_vreg.gather [hbm4b:s1+s9], $0x80, v24, vm0, $0xb8;
	[tilespmem:$0x8080] =	vst v63  }
0x54: {  	_ = 	snop  }
0x55: {  	[tilespmem:s19], [sflag:$0x1] =	stream.indirect_vreg.gather [hbm4b:s1+s9], $0x80, v23, vm0, $0xb8;
	[tilespmem:$0x8080] =	vst v63  }
0x56: {  	_ =	swait.ge [sflag:s20], $0x4000  }
0x57: {  	s22 =	sand.u32 $0x3800, s9;
	s23 =	sand.u32 $0x380, s9;
	[sflag:s20] =	ssyncset.done $0x0  }
0x58: {  	s22 =	sor.u32 s23, s22;
	[sflag:s20] =	ssyncadd.s32 $0xFFFFC000  }
0x59: {  	v30 =	vld [tilespmem:s22+$0x4080]  }
0x5a: {  	v31 =	vld [tilespmem:s22+$0x4090]  }
0x5b: {  	v32 =	vld [tilespmem:s22+$0x40A0]  }
0x5c: {  	v33 =	vld [tilespmem:s22+$0x40B0]  }
0x5d: {  	v34 =	vld [tilespmem:s22+$0x40C0]  }
0x5e: {  	v35 =	vld [tilespmem:s22+$0x40D0]  }
0x5f: {  	v36 =	vld [tilespmem:s22+$0x40E0]  }
0x60: {  	v37 =	vld [tilespmem:s22+$0x40F0]  }
0x61: {  	v38 =	vld [tilespmem:s22+$0x4480]  }
0x62: {  	v29 =	vld [tilespmem:s22+$0x4490]  }
0x63: {  	v28 =	vld [tilespmem:s22+$0x44A0]  }
0x64: {  	v27 =	vld [tilespmem:s22+$0x44B0]  }
0x65: {  	v26 =	vld [tilespmem:s22+$0x44C0]  }
0x66: {  	v25 =	vld [tilespmem:s22+$0x44D0]  }
0x67: {  	v24 =	vld [tilespmem:s22+$0x44E0]  }
0x68: {  	v23 =	vld [tilespmem:s22+$0x44F0]  }
0x69: {  	v39 =	vld [tilespmem:s22+$0x80]  }
0x6a: {  	v40 =	vld [tilespmem:s22+$0x90]  }
0x6b: {  	v41 =	vld [tilespmem:s22+$0xA0]  }
0x6c: {  	v42 =	vld [tilespmem:s22+$0xB0]  }
0x6d: {  	v43 =	vld [tilespmem:s22+$0xC0]  }
0x6e: {  	v59 =	vld [tilespmem:s22+$0xD0];
	v30 =	vadd.f32 v30, v39  }
0x6f: {  	v60 =	vld [tilespmem:s22+$0xE0];
	v31 =	vadd.f32 v31, v40  }
0x70: {  	v61 =	vld [tilespmem:s22+$0xF0];
	[tilespmem:s22+$0x80] =	vst v30;
	v30 =	vadd.f32 v32, v41  }
0x71: {  	v62 =	vld [tilespmem:s22+$0x480];
	[tilespmem:s22+$0x90] =	vst v31;
	v31 =	vadd.f32 v33, v42  }
0x72: {  	v33 =	vld [tilespmem:s22+$0x490];
	[tilespmem:s22+$0xA0] =	vst v30;
	v30 =	vadd.f32 v34, v43  }
0x73: {  	v32 =	vld [tilespmem:s22+$0x4A0];
	[tilespmem:s22+$0xB0] =	vst v31;
	v31 =	vadd.f32 v35, v59  }
0x74: {  	v63 =	vadd.f32 v36, v60;
	[tilespmem:s22+$0xC0] =	vst v30;
	v30 =	vld [tilespmem:s22+$0x4B0]  }
0x75: {  	v36 =	vadd.f32 v37, v61;
	[tilespmem:s22+$0xD0] =	vst v31;
	v31 =	vld [tilespmem:s22+$0x4C0]  }
0x76: {  	s24 =	simm.s32 $0x100;
	s23 =	simm.s32 $0x80;
	[tilespmem:s22+$0xE0] =	vst v63;
	v35 =	vadd.f32 v38, v62;
	v34 =	vld [tilespmem:s22+$0x4D0]  }
.LBB2_3:
0x77: {  	s25 =	sand.u32 $0x3800, s24;
	s26 =	sand.u32 $0x380, s23;
	p0 =	sne.s32 s24, $0x3F00;
	[tilespmem:s22+$0xF0] =	vst v36;
	v29 =	vadd.f32 v29, v33;
	v33 =	vld [tilespmem:s22+$0x4E0]  }
0x78: {  	s25 =	sor.u32 s26, s25;
	[tilespmem:s22+$0x480] =	vst v35;
	v28 =	vadd.f32 v28, v32;
	v32 =	vld [tilespmem:s22+$0x4F0]  }
0x79: {  	v35 =	vld [tilespmem:s25+$0x4080];
	[tilespmem:s22+$0x490] =	vst v29;
	v27 =	vadd.f32 v27, v30  }
0x7a: {  	v30 =	vld [tilespmem:s25+$0x4090];
	[tilespmem:s22+$0x4A0] =	vst v28;
	v26 =	vadd.f32 v26, v31  }
0x7b: {  	v31 =	vld [tilespmem:s25+$0x40A0];
	[tilespmem:s22+$0x4B0] =	vst v27;
	v25 =	vadd.f32 v25, v34  }
0x7c: {  	v34 =	vld [tilespmem:s25+$0x40B0];
	[tilespmem:s22+$0x4C0] =	vst v26;
	v24 =	vadd.f32 v24, v33  }
0x7d: {  	v33 =	vld [tilespmem:s25+$0x40C0];
	[tilespmem:s22+$0x4D0] =	vst v25;
	v23 =	vadd.f32 v23, v32  }
0x7e: {  	v32 =	vld [tilespmem:s25+$0x40D0];
	[tilespmem:s22+$0x4E0] =	vst v24  }
0x7f: {  	v36 =	vld [tilespmem:s25+$0x40E0];
	[tilespmem:s22+$0x4F0] =	vst v23;
	s22 =	smov.u32 s25  }
0x80: {  	v37 =	vld [tilespmem:s22+$0x40F0]  }
0x81: {  	v38 =	vld [tilespmem:s22+$0x4480]  }
0x82: {  	v29 =	vld [tilespmem:s22+$0x4490]  }
0x83: {  	v28 =	vld [tilespmem:s22+$0x44A0]  }
0x84: {  	v27 =	vld [tilespmem:s22+$0x44B0]  }
0x85: {  	v26 =	vld [tilespmem:s22+$0x44C0]  }
0x86: {  	v25 =	vld [tilespmem:s22+$0x44D0]  }
0x87: {  	v24 =	vld [tilespmem:s22+$0x44E0]  }
0x88: {  	v23 =	vld [tilespmem:s22+$0x44F0]  }
0x89: {  	v39 =	vld [tilespmem:s22+$0x80]  }
0x8a: {  	v40 =	vld [tilespmem:s22+$0x90]  }
0x8b: {  	v41 =	vld [tilespmem:s22+$0xA0]  }
0x8c: {  	v42 =	vld [tilespmem:s22+$0xB0]  }
0x8d: {  	v43 =	vld [tilespmem:s22+$0xC0]  }
0x8e: {  	v35 =	vadd.f32 v35, v39;
	v39 =	vld [tilespmem:s22+$0xD0]  }
0x8f: {  	v30 =	vadd.f32 v30, v40;
	v40 =	vld [tilespmem:s22+$0xE0]  }
0x90: {  	[tilespmem:s22+$0x80] =	vst v35;
	v31 =	vadd.f32 v31, v41;
	v35 =	vld [tilespmem:s22+$0xF0]  }
0x91: {  	[tilespmem:s22+$0x90] =	vst v30;
	v30 =	vadd.f32 v34, v42;
	v34 =	vld [tilespmem:s22+$0x480]  }
.Ltmp1:
0x92: {  	[tilespmem:s22+$0xA0] =	vst v31;
	v31 =	vadd.f32 v33, v43;
	v33 =	vld [tilespmem:s22+$0x490];
	(pc) =	sbr.rel @p0 .LBB2_3-.Ltmp1, $4  }
0x93: {  	[tilespmem:s22+$0xB0] =	vst v30;
	v39 =	vadd.f32 v32, v39;
	v32 =	vld [tilespmem:s22+$0x4A0]  }
0x94: {  	[tilespmem:s22+$0xC0] =	vst v31;
	v40 =	vadd.f32 v36, v40;
	v30 =	vld [tilespmem:s22+$0x4B0]  }
0x95: {  	[tilespmem:s22+$0xD0] =	vst v39;
	v36 =	vadd.f32 v37, v35;
	v31 =	vld [tilespmem:s22+$0x4C0]  }
0x96: {  	s23 =	sadd.s32 $0x80, s23;
	s24 =	sadd.s32 $0x100, s24;
	[tilespmem:s22+$0xE0] =	vst v40;
	v35 =	vadd.f32 v38, v34;
	v34 =	vld [tilespmem:s22+$0x4D0]  }
0x97: {  	[tilespmem:s22+$0xF0] =	vst v36;
	v29 =	vadd.f32 v29, v33;
	v52 =	vld [tilespmem:s22+$0x4E0]  }
0x98: {  	v53 =	vld [tilespmem:s22+$0x4F0];
	[tilespmem:s22+$0x480] =	vst v35;
	v28 =	vadd.f32 v28, v32  }
0x99: {  	[tilespmem:s22+$0x490] =	vst v29;
	v27 =	vadd.f32 v27, v30  }
0x9a: {  	[tilespmem:s22+$0x4A0] =	vst v28;
	v26 =	vadd.f32 v26, v31  }
0x9b: {  	[tilespmem:s22+$0x4B0] =	vst v27;
	v25 =	vadd.f32 v25, v34  }
0x9c: {  	[tilespmem:s22+$0x4C0] =	vst v26;
	v24 =	vadd.f32 v24, v52  }
0x9d: {  	v23 =	vadd.f32 v23, v53;
	[tilespmem:s22+$0x4D0] =	vst v25  }
0x9e: {  	[tilespmem:s22+$0x4E0] =	vst v24  }
0x9f: {  	[tilespmem:s22+$0x4F0] =	vst v23  }
0xa0: {  	[tilespmem:$0x0] =	vst v1  }
0xa1: {  	[tilespmem:$0x10] =	vst v6  }
0xa2: {  	[tilespmem:$0x20] =	vst v7  }
0xa3: {  	s31 =	simm.s32 $0x0;
	[tilespmem:$0x30] =	vst v8  }
0xa4: {  	[tilespmem:s12], [sflag:$0x1] =	stream.indirect_vreg.gather [hbm4b:s2+s31], $0x80, v9, vm0, $0xb8;
	[tilespmem:$0x8080] =	vst v63  }
0xa5: {  	_ = 	snop  }
0xa6: {  	[tilespmem:s13], [sflag:$0x1] =	stream.indirect_vreg.gather [hbm4b:s2+s31], $0x80, v10, vm0, $0xb8;
	[tilespmem:$0x8080] =	vst v63  }
0xa7: {  	v23 =	vld [tilespmem:$0x10];
	_ =	sdelay $0x4  }
0xa8: {  	v24 =	vshll.u32 v23, $0x1  }
0xa9: {  	v23 =	vand.u32 $0x7, v23;
	v24 =	vand.u32 $0xFFFFFFF0, v24  }
0xaa: {  	v23 =	vor.u32 v23, v24  }
0xab: {  	v24 =	vperm.xlane v23, v0;
	_ =	sdelay $0x1  }
0xac: {  	v23 =	vperm.xlane v23, v3;
	v24 =	vadd.s32 v2, v24;
	_ =	sdelay $0x1  }
0xad: {  	v23 =	vadd.s32 v2, v23;
	_ =	sdelay $0x2  }
0xae: {  	[tilespmem:s14], [sflag:$0x1] =	stream.indirect_vreg.gather [hbm4b:s2+s31], $0x80, v24, vm0, $0xb8;
	[tilespmem:$0x8080] =	vst v63  }
0xaf: {  	_ = 	snop  }
0xb0: {  	[tilespmem:s15], [sflag:$0x1] =	stream.indirect_vreg.gather [hbm4b:s2+s31], $0x80, v23, vm0, $0xb8;
	[tilespmem:$0x8080] =	vst v63  }
0xb1: {  	v23 =	vld [tilespmem:$0x20];
	_ =	sdelay $0x4  }
0xb2: {  	v24 =	vshll.u32 v23, $0x1  }
0xb3: {  	v23 =	vand.u32 $0x7, v23;
	v24 =	vand.u32 $0xFFFFFFF0, v24  }
0xb4: {  	v23 =	vor.u32 v23, v24  }
0xb5: {  	v24 =	vperm.xlane v23, v0;
	_ =	sdelay $0x1  }
0xb6: {  	v23 =	vperm.xlane v23, v3;
	v24 =	vadd.s32 v2, v24;
	_ =	sdelay $0x1  }
0xb7: {  	v23 =	vadd.s32 v2, v23;
	_ =	sdelay $0x2  }
0xb8: {  	[tilespmem:s16], [sflag:$0x1] =	stream.indirect_vreg.gather [hbm4b:s2+s31], $0x80, v24, vm0, $0xb8;
	[tilespmem:$0x8080] =	vst v63  }
0xb9: {  	_ = 	snop  }
0xba: {  	[tilespmem:s17], [sflag:$0x1] =	stream.indirect_vreg.gather [hbm4b:s2+s31], $0x80, v23, vm0, $0xb8;
	[tilespmem:$0x8080] =	vst v63  }
0xbb: {  	v23 =	vld [tilespmem:$0x30];
	_ =	sdelay $0x4  }
0xbc: {  	v24 =	vshll.u32 v23, $0x1  }
0xbd: {  	v23 =	vand.u32 $0x7, v23;
	v24 =	vand.u32 $0xFFFFFFF0, v24  }
0xbe: {  	v23 =	vor.u32 v23, v24  }
0xbf: {  	v24 =	vperm.xlane v23, v0;
	_ =	sdelay $0x1  }
0xc0: {  	v23 =	vperm.xlane v23, v3;
	v24 =	vadd.s32 v2, v24;
	_ =	sdelay $0x1  }
0xc1: {  	v23 =	vadd.s32 v2, v23;
	_ =	sdelay $0x2  }
0xc2: {  	[tilespmem:s18], [sflag:$0x1] =	stream.indirect_vreg.gather [hbm4b:s2+s31], $0x80, v24, vm0, $0xb8;
	[tilespmem:$0x8080] =	vst v63  }
0xc3: {  	_ = 	snop  }
0xc4: {  	[tilespmem:s19], [sflag:$0x1] =	stream.indirect_vreg.gather [hbm4b:s2+s31], $0x80, v23, vm0, $0xb8;
	[tilespmem:$0x8080] =	vst v63  }
0xc5: {  	_ =	swait.ge [sflag:s20], $0x4000  }
0xc6: {  	s23 =	sand.u32 $0x3800, s31;
	s22 =	sand.u32 $0x380, s31;
	[sflag:s20] =	ssyncset.done $0x0  }
0xc7: {  	s22 =	sor.u32 s22, s23;
	[sflag:s20] =	ssyncadd.s32 $0xFFFFC000  }
0xc8: {  	v30 =	vld [tilespmem:s22+$0x4080]  }
0xc9: {  	v31 =	vld [tilespmem:s22+$0x4090]  }
0xca: {  	v54 =	vld [tilespmem:s22+$0x40A0]  }
0xcb: {  	v55 =	vld [tilespmem:s22+$0x40B0]  }
0xcc: {  	v56 =	vld [tilespmem:s22+$0x40C0]  }
0xcd: {  	v57 =	vld [tilespmem:s22+$0x40D0]  }
0xce: {  	v58 =	vld [tilespmem:s22+$0x40E0]  }
0xcf: {  	v37 =	vld [tilespmem:s22+$0x40F0]  }
0xd0: {  	v38 =	vld [tilespmem:s22+$0x4480]  }
0xd1: {  	v29 =	vld [tilespmem:s22+$0x4490]  }
0xd2: {  	v28 =	vld [tilespmem:s22+$0x44A0]  }
0xd3: {  	v27 =	vld [tilespmem:s22+$0x44B0]  }
0xd4: {  	v26 =	vld [tilespmem:s22+$0x44C0]  }
0xd5: {  	v25 =	vld [tilespmem:s22+$0x44D0]  }
0xd6: {  	v24 =	vld [tilespmem:s22+$0x44E0]  }
0xd7: {  	v23 =	vld [tilespmem:s22+$0x44F0]  }
0xd8: {  	v39 =	vld [tilespmem:s22+$0x80]  }
0xd9: {  	v40 =	vld [tilespmem:s22+$0x90]  }
0xda: {  	v41 =	vld [tilespmem:s22+$0xA0]  }
0xdb: {  	v42 =	vld [tilespmem:s22+$0xB0]  }
0xdc: {  	v43 =	vld [tilespmem:s22+$0xC0]  }
0xdd: {  	v59 =	vld [tilespmem:s22+$0xD0];
	v30 =	vadd.f32 v30, v39  }
0xde: {  	v60 =	vld [tilespmem:s22+$0xE0];
	v31 =	vadd.f32 v31, v40  }
0xdf: {  	v61 =	vld [tilespmem:s22+$0xF0];
	[tilespmem:s22+$0x80] =	vst v30;
	v30 =	vadd.f32 v54, v41  }
0xe0: {  	v62 =	vld [tilespmem:s22+$0x480];
	[tilespmem:s22+$0x90] =	vst v31;
	v31 =	vadd.f32 v55, v42  }
0xe1: {  	v33 =	vld [tilespmem:s22+$0x490];
	[tilespmem:s22+$0xA0] =	vst v30;
	v30 =	vadd.f32 v56, v43  }
0xe2: {  	v32 =	vld [tilespmem:s22+$0x4A0];
	[tilespmem:s22+$0xB0] =	vst v31;
	v31 =	vadd.f32 v57, v59  }
0xe3: {  	v63 =	vadd.f32 v58, v60;
	[tilespmem:s22+$0xC0] =	vst v30;
	v30 =	vld [tilespmem:s22+$0x4B0]  }
0xe4: {  	v36 =	vadd.f32 v37, v61;
	[tilespmem:s22+$0xD0] =	vst v31;
	v31 =	vld [tilespmem:s22+$0x4C0]  }
0xe5: {  	s24 =	simm.s32 $0x100;
	s23 =	simm.s32 $0x80;
	v34 =	vld [tilespmem:s22+$0x4D0];
	v35 =	vadd.f32 v38, v62;
	[tilespmem:s22+$0xE0] =	vst v63  }
.LBB2_5:
0xe6: {  	s25 =	sand.u32 $0x3800, s24;
	s26 =	sand.u32 $0x380, s23;
	p0 =	sne.s32 s24, $0x3F00;
	[tilespmem:s22+$0xF0] =	vst v36;
	v29 =	vadd.f32 v29, v33;
	v33 =	vld [tilespmem:s22+$0x4E0]  }
0xe7: {  	s25 =	sor.u32 s26, s25;
	[tilespmem:s22+$0x480] =	vst v35;
	v28 =	vadd.f32 v28, v32;
	v32 =	vld [tilespmem:s22+$0x4F0]  }
0xe8: {  	v35 =	vld [tilespmem:s25+$0x4080];
	[tilespmem:s22+$0x490] =	vst v29;
	v27 =	vadd.f32 v27, v30  }
0xe9: {  	v30 =	vld [tilespmem:s25+$0x4090];
	[tilespmem:s22+$0x4A0] =	vst v28;
	v26 =	vadd.f32 v26, v31  }
0xea: {  	v31 =	vld [tilespmem:s25+$0x40A0];
	[tilespmem:s22+$0x4B0] =	vst v27;
	v25 =	vadd.f32 v25, v34  }
0xeb: {  	v34 =	vld [tilespmem:s25+$0x40B0];
	[tilespmem:s22+$0x4C0] =	vst v26;
	v24 =	vadd.f32 v24, v33  }
0xec: {  	v33 =	vld [tilespmem:s25+$0x40C0];
	[tilespmem:s22+$0x4D0] =	vst v25;
	v23 =	vadd.f32 v23, v32  }
0xed: {  	v32 =	vld [tilespmem:s25+$0x40D0];
	[tilespmem:s22+$0x4E0] =	vst v24  }
0xee: {  	v36 =	vld [tilespmem:s25+$0x40E0];
	[tilespmem:s22+$0x4F0] =	vst v23;
	s22 =	smov.u32 s25  }
0xef: {  	v37 =	vld [tilespmem:s22+$0x40F0]  }
0xf0: {  	v38 =	vld [tilespmem:s22+$0x4480]  }
0xf1: {  	v29 =	vld [tilespmem:s22+$0x4490]  }
0xf2: {  	v28 =	vld [tilespmem:s22+$0x44A0]  }
0xf3: {  	v27 =	vld [tilespmem:s22+$0x44B0]  }
0xf4: {  	v26 =	vld [tilespmem:s22+$0x44C0]  }
0xf5: {  	v25 =	vld [tilespmem:s22+$0x44D0]  }
0xf6: {  	v24 =	vld [tilespmem:s22+$0x44E0]  }
0xf7: {  	v23 =	vld [tilespmem:s22+$0x44F0]  }
0xf8: {  	v39 =	vld [tilespmem:s22+$0x80]  }
0xf9: {  	v40 =	vld [tilespmem:s22+$0x90]  }
0xfa: {  	v41 =	vld [tilespmem:s22+$0xA0]  }
0xfb: {  	v42 =	vld [tilespmem:s22+$0xB0]  }
0xfc: {  	v43 =	vld [tilespmem:s22+$0xC0]  }
0xfd: {  	v35 =	vadd.f32 v35, v39;
	v39 =	vld [tilespmem:s22+$0xD0]  }
0xfe: {  	v30 =	vadd.f32 v30, v40;
	v40 =	vld [tilespmem:s22+$0xE0]  }
0xff: {  	[tilespmem:s22+$0x80] =	vst v35;
	v31 =	vadd.f32 v31, v41;
	v35 =	vld [tilespmem:s22+$0xF0]  }
0x100: {  	[tilespmem:s22+$0x90] =	vst v30;
	v30 =	vadd.f32 v34, v42;
	v34 =	vld [tilespmem:s22+$0x480]  }
.Ltmp2:
0x101: {  	[tilespmem:s22+$0xA0] =	vst v31;
	v31 =	vadd.f32 v33, v43;
	v33 =	vld [tilespmem:s22+$0x490];
	(pc) =	sbr.rel @p0 .LBB2_5-.Ltmp2, $4  }
0x102: {  	[tilespmem:s22+$0xB0] =	vst v30;
	v39 =	vadd.f32 v32, v39;
	v32 =	vld [tilespmem:s22+$0x4A0]  }
0x103: {  	[tilespmem:s22+$0xC0] =	vst v31;
	v40 =	vadd.f32 v36, v40;
	v30 =	vld [tilespmem:s22+$0x4B0]  }
0x104: {  	[tilespmem:s22+$0xD0] =	vst v39;
	v36 =	vadd.f32 v37, v35;
	v31 =	vld [tilespmem:s22+$0x4C0]  }
0x105: {  	s23 =	sadd.s32 $0x80, s23;
	s24 =	sadd.s32 $0x100, s24;
	[tilespmem:s22+$0xE0] =	vst v40;
	v35 =	vadd.f32 v38, v34;
	v34 =	vld [tilespmem:s22+$0x4D0]  }
0x106: {  	[tilespmem:s22+$0xF0] =	vst v36;
	v29 =	vadd.f32 v29, v33;
	v52 =	vld [tilespmem:s22+$0x4E0]  }
0x107: {  	v53 =	vld [tilespmem:s22+$0x4F0];
	[tilespmem:s22+$0x480] =	vst v35;
	v28 =	vadd.f32 v28, v32  }
0x108: {  	[tilespmem:s22+$0x490] =	vst v29;
	v27 =	vadd.f32 v27, v30  }
0x109: {  	[tilespmem:s22+$0x4A0] =	vst v28;
	v26 =	vadd.f32 v26, v31  }
0x10a: {  	[tilespmem:s22+$0x4B0] =	vst v27;
	v25 =	vadd.f32 v25, v34  }
0x10b: {  	[tilespmem:s22+$0x4C0] =	vst v26;
	v24 =	vadd.f32 v24, v52  }
0x10c: {  	v23 =	vadd.f32 v23, v53;
	[tilespmem:s22+$0x4D0] =	vst v25  }
0x10d: {  	[tilespmem:s22+$0x4E0] =	vst v24  }
0x10e: {  	[tilespmem:s22+$0x4F0] =	vst v23  }
0x10f: {  	[tilespmem:$0x0] =	vst v11  }
0x110: {  	[tilespmem:$0x10] =	vst v12  }
0x111: {  	[tilespmem:$0x20] =	vst v13  }
0x112: {  	s31 =	simm.s32 $0x0;
	[tilespmem:$0x30] =	vst v14  }
0x113: {  	[tilespmem:s12], [sflag:$0x1] =	stream.indirect_vreg.gather [hbm4b:s4+s31], $0x80, v15, vm0, $0xb8;
	[tilespmem:$0x8080] =	vst v63  }
0x114: {  	_ = 	snop  }
0x115: {  	[tilespmem:s13], [sflag:$0x1] =	stream.indirect_vreg.gather [hbm4b:s4+s31], $0x80, v16, vm0, $0xb8;
	[tilespmem:$0x8080] =	vst v63  }
0x116: {  	v23 =	vld [tilespmem:$0x10];
	_ =	sdelay $0x4  }
0x117: {  	v24 =	vshll.u32 v23, $0x1  }
0x118: {  	v23 =	vand.u32 $0x7, v23;
	v24 =	vand.u32 $0xFFFFFFF0, v24  }
0x119: {  	v23 =	vor.u32 v23, v24  }
0x11a: {  	v24 =	vperm.xlane v23, v0;
	_ =	sdelay $0x1  }
0x11b: {  	v23 =	vperm.xlane v23, v3;
	v24 =	vadd.s32 v2, v24;
	_ =	sdelay $0x1  }
0x11c: {  	v23 =	vadd.s32 v2, v23;
	_ =	sdelay $0x2  }
0x11d: {  	[tilespmem:s14], [sflag:$0x1] =	stream.indirect_vreg.gather [hbm4b:s4+s31], $0x80, v24, vm0, $0xb8;
	[tilespmem:$0x8080] =	vst v63  }
0x11e: {  	_ = 	snop  }
0x11f: {  	[tilespmem:s15], [sflag:$0x1] =	stream.indirect_vreg.gather [hbm4b:s4+s31], $0x80, v23, vm0, $0xb8;
	[tilespmem:$0x8080] =	vst v63  }
0x120: {  	v23 =	vld [tilespmem:$0x20];
	_ =	sdelay $0x4  }
0x121: {  	v24 =	vshll.u32 v23, $0x1  }
0x122: {  	v23 =	vand.u32 $0x7, v23;
	v24 =	vand.u32 $0xFFFFFFF0, v24  }
0x123: {  	v23 =	vor.u32 v23, v24  }
0x124: {  	v24 =	vperm.xlane v23, v0;
	_ =	sdelay $0x1  }
0x125: {  	v23 =	vperm.xlane v23, v3;
	v24 =	vadd.s32 v2, v24;
	_ =	sdelay $0x1  }
0x126: {  	v23 =	vadd.s32 v2, v23;
	_ =	sdelay $0x2  }
0x127: {  	[tilespmem:s16], [sflag:$0x1] =	stream.indirect_vreg.gather [hbm4b:s4+s31], $0x80, v24, vm0, $0xb8;
	[tilespmem:$0x8080] =	vst v63  }
0x128: {  	_ = 	snop  }
0x129: {  	[tilespmem:s17], [sflag:$0x1] =	stream.indirect_vreg.gather [hbm4b:s4+s31], $0x80, v23, vm0, $0xb8;
	[tilespmem:$0x8080] =	vst v63  }
0x12a: {  	v23 =	vld [tilespmem:$0x30];
	_ =	sdelay $0x4  }
0x12b: {  	v24 =	vshll.u32 v23, $0x1  }
0x12c: {  	v23 =	vand.u32 $0x7, v23;
	v24 =	vand.u32 $0xFFFFFFF0, v24  }
0x12d: {  	v23 =	vor.u32 v23, v24  }
0x12e: {  	v24 =	vperm.xlane v23, v0;
	_ =	sdelay $0x1  }
0x12f: {  	v23 =	vperm.xlane v23, v3;
	v24 =	vadd.s32 v2, v24;
	_ =	sdelay $0x1  }
0x130: {  	v23 =	vadd.s32 v2, v23;
	_ =	sdelay $0x2  }
0x131: {  	[tilespmem:s18], [sflag:$0x1] =	stream.indirect_vreg.gather [hbm4b:s4+s31], $0x80, v24, vm0, $0xb8;
	[tilespmem:$0x8080] =	vst v63  }
0x132: {  	_ = 	snop  }
0x133: {  	[tilespmem:s19], [sflag:$0x1] =	stream.indirect_vreg.gather [hbm4b:s4+s31], $0x80, v23, vm0, $0xb8;
	[tilespmem:$0x8080] =	vst v63  }
0x134: {  	_ =	swait.ge [sflag:s20], $0x4000  }
0x135: {  	s23 =	sand.u32 $0x3800, s31;
	s22 =	sand.u32 $0x380, s31;
	[sflag:s20] =	ssyncset.done $0x0  }
0x136: {  	s22 =	sor.u32 s22, s23;
	[sflag:s20] =	ssyncadd.s32 $0xFFFFC000  }
0x137: {  	v30 =	vld [tilespmem:s22+$0x4080]  }
0x138: {  	v31 =	vld [tilespmem:s22+$0x4090]  }
0x139: {  	v54 =	vld [tilespmem:s22+$0x40A0]  }
0x13a: {  	v55 =	vld [tilespmem:s22+$0x40B0]  }
0x13b: {  	v56 =	vld [tilespmem:s22+$0x40C0]  }
0x13c: {  	v57 =	vld [tilespmem:s22+$0x40D0]  }
0x13d: {  	v58 =	vld [tilespmem:s22+$0x40E0]  }
0x13e: {  	v37 =	vld [tilespmem:s22+$0x40F0]  }
0x13f: {  	v38 =	vld [tilespmem:s22+$0x4480]  }
0x140: {  	v29 =	vld [tilespmem:s22+$0x4490]  }
0x141: {  	v28 =	vld [tilespmem:s22+$0x44A0]  }
0x142: {  	v27 =	vld [tilespmem:s22+$0x44B0]  }
0x143: {  	v26 =	vld [tilespmem:s22+$0x44C0]  }
0x144: {  	v25 =	vld [tilespmem:s22+$0x44D0]  }
0x145: {  	v24 =	vld [tilespmem:s22+$0x44E0]  }
0x146: {  	v23 =	vld [tilespmem:s22+$0x44F0]  }
0x147: {  	v39 =	vld [tilespmem:s22+$0x80]  }
0x148: {  	v40 =	vld [tilespmem:s22+$0x90]  }
0x149: {  	v41 =	vld [tilespmem:s22+$0xA0]  }
0x14a: {  	v42 =	vld [tilespmem:s22+$0xB0]  }
0x14b: {  	v43 =	vld [tilespmem:s22+$0xC0]  }
0x14c: {  	v59 =	vld [tilespmem:s22+$0xD0];
	v30 =	vadd.f32 v30, v39  }
0x14d: {  	v60 =	vld [tilespmem:s22+$0xE0];
	v31 =	vadd.f32 v31, v40  }
0x14e: {  	v61 =	vld [tilespmem:s22+$0xF0];
	[tilespmem:s22+$0x80] =	vst v30;
	v30 =	vadd.f32 v54, v41  }
0x14f: {  	v62 =	vld [tilespmem:s22+$0x480];
	[tilespmem:s22+$0x90] =	vst v31;
	v31 =	vadd.f32 v55, v42  }
0x150: {  	v33 =	vld [tilespmem:s22+$0x490];
	[tilespmem:s22+$0xA0] =	vst v30;
	v30 =	vadd.f32 v56, v43  }
0x151: {  	v32 =	vld [tilespmem:s22+$0x4A0];
	[tilespmem:s22+$0xB0] =	vst v31;
	v31 =	vadd.f32 v57, v59  }
0x152: {  	v63 =	vadd.f32 v58, v60;
	[tilespmem:s22+$0xC0] =	vst v30;
	v30 =	vld [tilespmem:s22+$0x4B0]  }
0x153: {  	v36 =	vadd.f32 v37, v61;
	[tilespmem:s22+$0xD0] =	vst v31;
	v31 =	vld [tilespmem:s22+$0x4C0]  }
0x154: {  	s24 =	simm.s32 $0x100;
	s23 =	simm.s32 $0x80;
	v34 =	vld [tilespmem:s22+$0x4D0];
	v35 =	vadd.f32 v38, v62;
	[tilespmem:s22+$0xE0] =	vst v63  }
.LBB2_7:
0x155: {  	s25 =	sand.u32 $0x3800, s24;
	s26 =	sand.u32 $0x380, s23;
	p0 =	sne.s32 s24, $0x3F00;
	[tilespmem:s22+$0xF0] =	vst v36;
	v29 =	vadd.f32 v29, v33;
	v33 =	vld [tilespmem:s22+$0x4E0]  }
0x156: {  	s25 =	sor.u32 s26, s25;
	[tilespmem:s22+$0x480] =	vst v35;
	v28 =	vadd.f32 v28, v32;
	v32 =	vld [tilespmem:s22+$0x4F0]  }
0x157: {  	v35 =	vld [tilespmem:s25+$0x4080];
	[tilespmem:s22+$0x490] =	vst v29;
	v27 =	vadd.f32 v27, v30  }
0x158: {  	v30 =	vld [tilespmem:s25+$0x4090];
	[tilespmem:s22+$0x4A0] =	vst v28;
	v26 =	vadd.f32 v26, v31  }
0x159: {  	v31 =	vld [tilespmem:s25+$0x40A0];
	[tilespmem:s22+$0x4B0] =	vst v27;
	v25 =	vadd.f32 v25, v34  }
0x15a: {  	v34 =	vld [tilespmem:s25+$0x40B0];
	[tilespmem:s22+$0x4C0] =	vst v26;
	v24 =	vadd.f32 v24, v33  }
0x15b: {  	v33 =	vld [tilespmem:s25+$0x40C0];
	[tilespmem:s22+$0x4D0] =	vst v25;
	v23 =	vadd.f32 v23, v32  }
0x15c: {  	v32 =	vld [tilespmem:s25+$0x40D0];
	[tilespmem:s22+$0x4E0] =	vst v24  }
0x15d: {  	v36 =	vld [tilespmem:s25+$0x40E0];
	[tilespmem:s22+$0x4F0] =	vst v23;
	s22 =	smov.u32 s25  }
0x15e: {  	v37 =	vld [tilespmem:s22+$0x40F0]  }
0x15f: {  	v38 =	vld [tilespmem:s22+$0x4480]  }
0x160: {  	v29 =	vld [tilespmem:s22+$0x4490]  }
0x161: {  	v28 =	vld [tilespmem:s22+$0x44A0]  }
0x162: {  	v27 =	vld [tilespmem:s22+$0x44B0]  }
0x163: {  	v26 =	vld [tilespmem:s22+$0x44C0]  }
0x164: {  	v25 =	vld [tilespmem:s22+$0x44D0]  }
0x165: {  	v24 =	vld [tilespmem:s22+$0x44E0]  }
0x166: {  	v23 =	vld [tilespmem:s22+$0x44F0]  }
0x167: {  	v39 =	vld [tilespmem:s22+$0x80]  }
0x168: {  	v40 =	vld [tilespmem:s22+$0x90]  }
0x169: {  	v41 =	vld [tilespmem:s22+$0xA0]  }
0x16a: {  	v42 =	vld [tilespmem:s22+$0xB0]  }
0x16b: {  	v43 =	vld [tilespmem:s22+$0xC0]  }
0x16c: {  	v35 =	vadd.f32 v35, v39;
	v39 =	vld [tilespmem:s22+$0xD0]  }
0x16d: {  	v30 =	vadd.f32 v30, v40;
	v40 =	vld [tilespmem:s22+$0xE0]  }
0x16e: {  	[tilespmem:s22+$0x80] =	vst v35;
	v31 =	vadd.f32 v31, v41;
	v35 =	vld [tilespmem:s22+$0xF0]  }
0x16f: {  	[tilespmem:s22+$0x90] =	vst v30;
	v30 =	vadd.f32 v34, v42;
	v34 =	vld [tilespmem:s22+$0x480]  }
.Ltmp3:
0x170: {  	[tilespmem:s22+$0xA0] =	vst v31;
	v31 =	vadd.f32 v33, v43;
	v33 =	vld [tilespmem:s22+$0x490];
	(pc) =	sbr.rel @p0 .LBB2_7-.Ltmp3, $4  }
0x171: {  	[tilespmem:s22+$0xB0] =	vst v30;
	v39 =	vadd.f32 v32, v39;
	v32 =	vld [tilespmem:s22+$0x4A0]  }
0x172: {  	[tilespmem:s22+$0xC0] =	vst v31;
	v40 =	vadd.f32 v36, v40;
	v30 =	vld [tilespmem:s22+$0x4B0]  }
0x173: {  	[tilespmem:s22+$0xD0] =	vst v39;
	v36 =	vadd.f32 v37, v35;
	v31 =	vld [tilespmem:s22+$0x4C0]  }
0x174: {  	s23 =	sadd.s32 $0x80, s23;
	s24 =	sadd.s32 $0x100, s24;
	[tilespmem:s22+$0xE0] =	vst v40;
	v35 =	vadd.f32 v38, v34;
	v34 =	vld [tilespmem:s22+$0x4D0]  }
0x175: {  	[tilespmem:s22+$0xF0] =	vst v36;
	v29 =	vadd.f32 v29, v33;
	v52 =	vld [tilespmem:s22+$0x4E0]  }
0x176: {  	v53 =	vld [tilespmem:s22+$0x4F0];
	[tilespmem:s22+$0x480] =	vst v35;
	v28 =	vadd.f32 v28, v32  }
0x177: {  	[tilespmem:s22+$0x490] =	vst v29;
	v27 =	vadd.f32 v27, v30  }
0x178: {  	[tilespmem:s22+$0x4A0] =	vst v28;
	v26 =	vadd.f32 v26, v31  }
0x179: {  	[tilespmem:s22+$0x4B0] =	vst v27;
	v25 =	vadd.f32 v25, v34  }
0x17a: {  	[tilespmem:s22+$0x4C0] =	vst v26;
	v24 =	vadd.f32 v24, v52  }
0x17b: {  	v23 =	vadd.f32 v23, v53;
	[tilespmem:s22+$0x4D0] =	vst v25  }
0x17c: {  	[tilespmem:s22+$0x4E0] =	vst v24  }
0x17d: {  	[tilespmem:s22+$0x4F0] =	vst v23  }
0x17e: {  	[tilespmem:$0x0] =	vst v17  }
0x17f: {  	[tilespmem:$0x10] =	vst v18  }
0x180: {  	[tilespmem:$0x20] =	vst v19  }
0x181: {  	s31 =	simm.s32 $0x0;
	[tilespmem:$0x30] =	vst v20  }
0x182: {  	[tilespmem:s12], [sflag:$0x1] =	stream.indirect_vreg.gather [hbm4b:s6+s31], $0x80, v21, vm0, $0xb8;
	[tilespmem:$0x8080] =	vst v63  }
0x183: {  	_ = 	snop  }
0x184: {  	[tilespmem:s13], [sflag:$0x1] =	stream.indirect_vreg.gather [hbm4b:s6+s31], $0x80, v22, vm0, $0xb8;
	[tilespmem:$0x8080] =	vst v63  }
0x185: {  	v23 =	vld [tilespmem:$0x10];
	_ =	sdelay $0x4  }
0x186: {  	v24 =	vshll.u32 v23, $0x1  }
0x187: {  	v23 =	vand.u32 $0x7, v23;
	v24 =	vand.u32 $0xFFFFFFF0, v24  }
0x188: {  	v23 =	vor.u32 v23, v24  }
0x189: {  	v24 =	vperm.xlane v23, v0;
	_ =	sdelay $0x1  }
0x18a: {  	v23 =	vperm.xlane v23, v3;
	v24 =	vadd.s32 v2, v24;
	_ =	sdelay $0x1  }
0x18b: {  	v23 =	vadd.s32 v2, v23;
	_ =	sdelay $0x2  }
0x18c: {  	[tilespmem:s14], [sflag:$0x1] =	stream.indirect_vreg.gather [hbm4b:s6+s31], $0x80, v24, vm0, $0xb8;
	[tilespmem:$0x8080] =	vst v63  }
0x18d: {  	_ = 	snop  }
0x18e: {  	[tilespmem:s15], [sflag:$0x1] =	stream.indirect_vreg.gather [hbm4b:s6+s31], $0x80, v23, vm0, $0xb8;
	[tilespmem:$0x8080] =	vst v63  }
0x18f: {  	v23 =	vld [tilespmem:$0x20];
	_ =	sdelay $0x4  }
0x190: {  	v24 =	vshll.u32 v23, $0x1  }
0x191: {  	v23 =	vand.u32 $0x7, v23;
	v24 =	vand.u32 $0xFFFFFFF0, v24  }
0x192: {  	v23 =	vor.u32 v23, v24  }
0x193: {  	v24 =	vperm.xlane v23, v0;
	_ =	sdelay $0x1  }
0x194: {  	v23 =	vperm.xlane v23, v3;
	v24 =	vadd.s32 v2, v24;
	_ =	sdelay $0x1  }
0x195: {  	v23 =	vadd.s32 v2, v23;
	_ =	sdelay $0x2  }
0x196: {  	[tilespmem:s16], [sflag:$0x1] =	stream.indirect_vreg.gather [hbm4b:s6+s31], $0x80, v24, vm0, $0xb8;
	[tilespmem:$0x8080] =	vst v63  }
0x197: {  	_ = 	snop  }
0x198: {  	[tilespmem:s17], [sflag:$0x1] =	stream.indirect_vreg.gather [hbm4b:s6+s31], $0x80, v23, vm0, $0xb8;
	[tilespmem:$0x8080] =	vst v63  }
0x199: {  	v23 =	vld [tilespmem:$0x30];
	_ =	sdelay $0x4  }
0x19a: {  	v24 =	vshll.u32 v23, $0x1  }
0x19b: {  	v23 =	vand.u32 $0x7, v23;
	v24 =	vand.u32 $0xFFFFFFF0, v24  }
0x19c: {  	v23 =	vor.u32 v23, v24  }
0x19d: {  	v24 =	vperm.xlane v23, v0;
	_ =	sdelay $0x1  }
0x19e: {  	v23 =	vperm.xlane v23, v3;
	v24 =	vadd.s32 v2, v24;
	_ =	sdelay $0x1  }
0x19f: {  	v23 =	vadd.s32 v2, v23;
	_ =	sdelay $0x2  }
0x1a0: {  	[tilespmem:s18], [sflag:$0x1] =	stream.indirect_vreg.gather [hbm4b:s6+s31], $0x80, v24, vm0, $0xb8;
	[tilespmem:$0x8080] =	vst v63  }
0x1a1: {  	_ = 	snop  }
0x1a2: {  	[tilespmem:s19], [sflag:$0x1] =	stream.indirect_vreg.gather [hbm4b:s6+s31], $0x80, v23, vm0, $0xb8;
	[tilespmem:$0x8080] =	vst v63  }
0x1a3: {  	_ =	swait.ge [sflag:s20], $0x4000  }
0x1a4: {  	s23 =	sand.u32 $0x3800, s31;
	s22 =	sand.u32 $0x380, s31;
	[sflag:s20] =	ssyncset.done $0x0  }
0x1a5: {  	s22 =	sor.u32 s22, s23;
	[sflag:s20] =	ssyncadd.s32 $0xFFFFC000  }
0x1a6: {  	v30 =	vld [tilespmem:s22+$0x4080]  }
0x1a7: {  	v31 =	vld [tilespmem:s22+$0x4090]  }
0x1a8: {  	v54 =	vld [tilespmem:s22+$0x40A0]  }
0x1a9: {  	v55 =	vld [tilespmem:s22+$0x40B0]  }
0x1aa: {  	v56 =	vld [tilespmem:s22+$0x40C0]  }
0x1ab: {  	v57 =	vld [tilespmem:s22+$0x40D0]  }
0x1ac: {  	v58 =	vld [tilespmem:s22+$0x40E0]  }
0x1ad: {  	v37 =	vld [tilespmem:s22+$0x40F0]  }
0x1ae: {  	v38 =	vld [tilespmem:s22+$0x4480]  }
0x1af: {  	v29 =	vld [tilespmem:s22+$0x4490]  }
0x1b0: {  	v28 =	vld [tilespmem:s22+$0x44A0]  }
0x1b1: {  	v27 =	vld [tilespmem:s22+$0x44B0]  }
0x1b2: {  	v26 =	vld [tilespmem:s22+$0x44C0]  }
0x1b3: {  	v25 =	vld [tilespmem:s22+$0x44D0]  }
0x1b4: {  	v24 =	vld [tilespmem:s22+$0x44E0]  }
0x1b5: {  	v23 =	vld [tilespmem:s22+$0x44F0]  }
0x1b6: {  	v39 =	vld [tilespmem:s22+$0x80]  }
0x1b7: {  	v40 =	vld [tilespmem:s22+$0x90]  }
0x1b8: {  	v41 =	vld [tilespmem:s22+$0xA0]  }
0x1b9: {  	v42 =	vld [tilespmem:s22+$0xB0]  }
0x1ba: {  	v43 =	vld [tilespmem:s22+$0xC0]  }
0x1bb: {  	v59 =	vld [tilespmem:s22+$0xD0];
	v30 =	vadd.f32 v30, v39  }
0x1bc: {  	v60 =	vld [tilespmem:s22+$0xE0];
	v31 =	vadd.f32 v31, v40  }
0x1bd: {  	v61 =	vld [tilespmem:s22+$0xF0];
	[tilespmem:s22+$0x80] =	vst v30;
	v30 =	vadd.f32 v54, v41  }
0x1be: {  	v62 =	vld [tilespmem:s22+$0x480];
	[tilespmem:s22+$0x90] =	vst v31;
	v31 =	vadd.f32 v55, v42  }
0x1bf: {  	v33 =	vld [tilespmem:s22+$0x490];
	[tilespmem:s22+$0xA0] =	vst v30;
	v30 =	vadd.f32 v56, v43  }
0x1c0: {  	v32 =	vld [tilespmem:s22+$0x4A0];
	[tilespmem:s22+$0xB0] =	vst v31;
	v31 =	vadd.f32 v57, v59  }
0x1c1: {  	v63 =	vadd.f32 v58, v60;
	[tilespmem:s22+$0xC0] =	vst v30;
	v30 =	vld [tilespmem:s22+$0x4B0]  }
0x1c2: {  	v36 =	vadd.f32 v37, v61;
	[tilespmem:s22+$0xD0] =	vst v31;
	v31 =	vld [tilespmem:s22+$0x4C0]  }
0x1c3: {  	s24 =	simm.s32 $0x100;
	s23 =	simm.s32 $0x80;
	v34 =	vld [tilespmem:s22+$0x4D0];
	v35 =	vadd.f32 v38, v62;
	[tilespmem:s22+$0xE0] =	vst v63  }
.LBB2_9:
0x1c4: {  	s25 =	sand.u32 $0x3800, s24;
	s26 =	sand.u32 $0x380, s23;
	p0 =	sne.s32 s24, $0x3F00;
	[tilespmem:s22+$0xF0] =	vst v36;
	v29 =	vadd.f32 v29, v33;
	v33 =	vld [tilespmem:s22+$0x4E0]  }
0x1c5: {  	s25 =	sor.u32 s26, s25;
	[tilespmem:s22+$0x480] =	vst v35;
	v28 =	vadd.f32 v28, v32;
	v32 =	vld [tilespmem:s22+$0x4F0]  }
0x1c6: {  	v35 =	vld [tilespmem:s25+$0x4080];
	[tilespmem:s22+$0x490] =	vst v29;
	v27 =	vadd.f32 v27, v30  }
0x1c7: {  	v30 =	vld [tilespmem:s25+$0x4090];
	[tilespmem:s22+$0x4A0] =	vst v28;
	v26 =	vadd.f32 v26, v31  }
0x1c8: {  	v31 =	vld [tilespmem:s25+$0x40A0];
	[tilespmem:s22+$0x4B0] =	vst v27;
	v25 =	vadd.f32 v25, v34  }
0x1c9: {  	v34 =	vld [tilespmem:s25+$0x40B0];
	[tilespmem:s22+$0x4C0] =	vst v26;
	v24 =	vadd.f32 v24, v33  }
0x1ca: {  	v33 =	vld [tilespmem:s25+$0x40C0];
	[tilespmem:s22+$0x4D0] =	vst v25;
	v23 =	vadd.f32 v23, v32  }
0x1cb: {  	v32 =	vld [tilespmem:s25+$0x40D0];
	[tilespmem:s22+$0x4E0] =	vst v24  }
0x1cc: {  	v36 =	vld [tilespmem:s25+$0x40E0];
	[tilespmem:s22+$0x4F0] =	vst v23;
	s22 =	smov.u32 s25  }
0x1cd: {  	v37 =	vld [tilespmem:s22+$0x40F0]  }
0x1ce: {  	v38 =	vld [tilespmem:s22+$0x4480]  }
0x1cf: {  	v29 =	vld [tilespmem:s22+$0x4490]  }
0x1d0: {  	v28 =	vld [tilespmem:s22+$0x44A0]  }
0x1d1: {  	v27 =	vld [tilespmem:s22+$0x44B0]  }
0x1d2: {  	v26 =	vld [tilespmem:s22+$0x44C0]  }
0x1d3: {  	v25 =	vld [tilespmem:s22+$0x44D0]  }
0x1d4: {  	v24 =	vld [tilespmem:s22+$0x44E0]  }
0x1d5: {  	v23 =	vld [tilespmem:s22+$0x44F0]  }
0x1d6: {  	v39 =	vld [tilespmem:s22+$0x80]  }
0x1d7: {  	v40 =	vld [tilespmem:s22+$0x90]  }
0x1d8: {  	v41 =	vld [tilespmem:s22+$0xA0]  }
0x1d9: {  	v42 =	vld [tilespmem:s22+$0xB0]  }
0x1da: {  	v43 =	vld [tilespmem:s22+$0xC0]  }
0x1db: {  	v35 =	vadd.f32 v35, v39;
	v39 =	vld [tilespmem:s22+$0xD0]  }
0x1dc: {  	v30 =	vadd.f32 v30, v40;
	v40 =	vld [tilespmem:s22+$0xE0]  }
0x1dd: {  	[tilespmem:s22+$0x80] =	vst v35;
	v31 =	vadd.f32 v31, v41;
	v35 =	vld [tilespmem:s22+$0xF0]  }
0x1de: {  	[tilespmem:s22+$0x90] =	vst v30;
	v30 =	vadd.f32 v34, v42;
	v34 =	vld [tilespmem:s22+$0x480]  }
.Ltmp4:
0x1df: {  	[tilespmem:s22+$0xA0] =	vst v31;
	v31 =	vadd.f32 v33, v43;
	v33 =	vld [tilespmem:s22+$0x490];
	(pc) =	sbr.rel @p0 .LBB2_9-.Ltmp4, $4  }
0x1e0: {  	[tilespmem:s22+$0xB0] =	vst v30;
	v39 =	vadd.f32 v32, v39;
	v32 =	vld [tilespmem:s22+$0x4A0]  }
0x1e1: {  	[tilespmem:s22+$0xC0] =	vst v31;
	v40 =	vadd.f32 v36, v40;
	v30 =	vld [tilespmem:s22+$0x4B0]  }
0x1e2: {  	[tilespmem:s22+$0xD0] =	vst v39;
	v36 =	vadd.f32 v37, v35;
	v31 =	vld [tilespmem:s22+$0x4C0]  }
0x1e3: {  	s23 =	sadd.s32 $0x80, s23;
	s24 =	sadd.s32 $0x100, s24;
	[tilespmem:s22+$0xE0] =	vst v40;
	v35 =	vadd.f32 v38, v34;
	v34 =	vld [tilespmem:s22+$0x4D0]  }
0x1e4: {  	[tilespmem:s22+$0xF0] =	vst v36;
	v29 =	vadd.f32 v29, v33;
	v62 =	vld [tilespmem:s22+$0x4E0]  }
0x1e5: {  	v63 =	vld [tilespmem:s22+$0x4F0];
	[tilespmem:s22+$0x480] =	vst v35;
	v28 =	vadd.f32 v28, v32  }
0x1e6: {  	[tilespmem:s22+$0x490] =	vst v29;
	v27 =	vadd.f32 v27, v30  }
0x1e7: {  	[tilespmem:s22+$0x4A0] =	vst v28;
	v26 =	vadd.f32 v26, v31  }
0x1e8: {  	[tilespmem:s22+$0x4B0] =	vst v27;
	v25 =	vadd.f32 v25, v34  }
0x1e9: {  	[tilespmem:s22+$0x4C0] =	vst v26;
	v24 =	vadd.f32 v24, v62  }
0x1ea: {  	s21 =	sadd.s32 $0x1, s21;
	v23 =	vadd.f32 v23, v63;
	[tilespmem:s22+$0x4D0] =	vst v25  }
0x1eb: {  	p0 =	sne.s32 s21, s8;
	[tilespmem:s22+$0x4E0] =	vst v24  }
.Ltmp5:
0x1ec: {  	[tilespmem:s22+$0x4F0] =	vst v23;
	(pc) =	sbr.rel @p0 .LBB2_2-.Ltmp5, $4  }
0x1ed: {  	[hbm4b:s7+s9] =	stream.linear.scatter [tilespmem:s10], [sflag:$0x2], $0x4000, $0x38;
	[tilespmem:$0x8080] =	vst v63  }
0x1ee: {  	_ =	swait.ge [sflag:s11], $0x4000  }
0x1ef: {  	[sflag:s11] =	ssyncset.done $0x0  }
0x1f0: {  	[sflag:s11] =	ssyncadd.s32 $0xFFFFC000  }
.LBB2_11:
0x1f1: {  	_ =	sfence.sel $0x180000  }
0x1f2: {  	[bflag:$0x0] =	sbarrier.arrive $0xFFFF  }
0x1f3: {  	p0 =	sne.s32 s3, $0x0;
	_ =	strace $0x90000047  }
0x1f4: {  	s0 =	sadd.s32 @!p0 $0x100000, s5;
	[bflag:$0x2] =	sbarrier.arrive $0xFFFF  }
0x1f5: {  	[sflag:s0] =	ssyncadd.tile.s32 @!p0 $0x1;
	_ =	shalt  }
.Lfunc_end2:
_tile_overlayer_lowered:
.L_overlay_start_2:
0x1f6: {  	(tag) =	ssettag $0x2  }
0x1f7: {  	s0 =	rddreg [dreg:$0x0];
	s2 =	stileid.u32  }
0x1f8: {  	s1 =	rddreg [dreg:$0x1];
	p0 =	sne.s32 s2, $0x0  }
0x1f9: {  	s3 =	rddreg [dreg:$0x2];
	[bflag:$0x3] =	sbarrier.arrive $0xFFFF;
	s2 =	simm.s32 @!p0 $0x1C02  }
0x1fa: {  	[timem:s3], [sflag:s2] =	dma.local @!p0 [hbm:s0], s1  }
0x1fb: {  	s0 =	simm.s32 @!p0 $0x2  }
0x1fc: {  	_ =	swait.ge @!p0 [sflag:s0], s1  }
0x1fd: {  	s1 =	ssub.s32 @!p0 $0x0, s1;
	[sflag:s0] =	ssyncset.done @!p0 $0x0  }
0x1fe: {  	[sflag:s0] =	ssyncadd.s32 @!p0 s1  }
0x1ff: {  	[bflag:$0x3] =	sbarrier.arrive $0xFFFF  }
0x200: {  	_ =	shalt  }

</sc_bundles>
